<compile_context>
chip_gen: v7x
topology: tpu7x:2x2x1
jax: 0.10.2.dev20260603
libtpu: 0.0.44.dev20260713+nightly
codegen_flags: <defaults>
</compile_context>

<pallas_src>
import functools

import jax
import jax.numpy as jnp
from jax import lax
from jax.experimental import pallas as pl
from jax.experimental.pallas import tpu as pltpu
from jax.experimental.pallas import tpu_sc as plsc

D1, D2 = 16, 8
D = D1 * D2
VPAD = 1024

NC, NS = 2, 16
NW = NC * NS
CH = 128
NBUF = 5


def _fuse_body(w1_ref, w2_ref, out_ref):
    w1 = w1_ref[...]
    w2 = w2_ref[...]
    col = lax.broadcasted_iota(jnp.int32, (D1, D), 1)
    row = lax.broadcasted_iota(jnp.int32, (D1, D), 0)
    rep = jnp.where(col // D2 == row, 1.0, 0.0)
    col2 = lax.broadcasted_iota(jnp.int32, (D2, D), 1)
    row2 = lax.broadcasted_iota(jnp.int32, (D2, D), 0)
    til = jnp.where(col2 % D2 == row2, 1.0, 0.0)
    e1 = jnp.dot(w1, rep, preferred_element_type=jnp.float32,
                 precision=lax.Precision.HIGHEST)
    e2 = jnp.dot(w2, til, preferred_element_type=jnp.float32,
                 precision=lax.Precision.HIGHEST)
    out_ref[...] = e1 * e2


def _fuse_tables(w1, w2):
    return pl.pallas_call(
        _fuse_body,
        out_shape=jax.ShapeDtypeStruct((VPAD, D), jnp.float32),
    )(w1, w2)


def _make_gather(n_tokens):
    pw = n_tokens // NW
    nchunk = pw // CH
    mesh = plsc.VectorSubcoreMesh(core_axis_name="c", subcore_axis_name="s")

    @functools.partial(
        pl.kernel,
        mesh=mesh,
        out_type=jax.ShapeDtypeStruct((n_tokens, D), jnp.float32),
        scratch_types=[
            pltpu.VMEM((nchunk, CH), jnp.int32),
            pltpu.VMEM((NBUF, CH, D), jnp.float32),
            pltpu.VMEM_SHARED((VPAD, D), jnp.float32),
            pltpu.SemaphoreType.DMA,
            pltpu.SemaphoreType.DMA,
        ],
    )
    def gather(idx_hbm, table_hbm, out_hbm, idx_v, rows_v, table_sp, gsem,
               ssem):
        wid = lax.axis_index("s") * NC + lax.axis_index("c")
        cbase = wid * nchunk

        sid = lax.axis_index("s")
        rows_per_sub = VPAD // NS
        pltpu.sync_copy(
            table_hbm.at[pl.ds(sid * rows_per_sub, rows_per_sub)],
            table_sp.at[pl.ds(sid * rows_per_sub, rows_per_sub)],
        )
        pltpu.sync_copy(idx_hbm.at[pl.ds(cbase, nchunk)], idx_v)
        plsc.subcore_barrier()

        for b in range(NBUF):
            pltpu.async_copy(table_sp.at[idx_v.at[b]], rows_v.at[b], gsem)

        def step(c, carry):
            for b in range(NBUF):
                pltpu.make_async_copy(
                    table_sp.at[idx_v.at[c + b]], rows_v.at[b], gsem
                ).wait()
                pltpu.async_copy(
                    rows_v.at[b],
                    out_hbm.at[pl.ds((cbase + c + b) * CH, CH)],
                    ssem,
                )
                nxt = c + b + NBUF

                @pl.when(nxt < nchunk)
                def _():
                    pltpu.make_async_copy(
                        rows_v.at[b],
                        out_hbm.at[pl.ds((cbase + nxt - NBUF) * CH, CH)],
                        ssem,
                    ).wait()
                    pltpu.async_copy(
                        table_sp.at[idx_v.at[nxt]], rows_v.at[b], gsem
                    )

            return carry

        lax.fori_loop(0, nchunk // NBUF, lambda i, c: step(i * NBUF, c), 0,
                      unroll=False)

        for b in range(NBUF):
            pltpu.make_async_copy(
                rows_v.at[b],
                out_hbm.at[pl.ds((cbase + nchunk - NBUF + b) * CH, CH)],
                ssem,
            ).wait()

    return gather


def kernel(token_ids, W1, W2):
    B, L = token_ids.shape
    n = B * L
    table = _fuse_tables(
        jnp.pad(W1, ((0, VPAD - W1.shape[0]), (0, 0))),
        jnp.pad(W2, ((0, VPAD - W2.shape[0]), (0, 0))),
    )
    idx = token_ids.reshape(n // CH, CH)
    out = _make_gather(n)(idx, table)
    return out.reshape(B, L, D)

# --- scband reference (transcript-rebuilt; emitter-appended) ---
"""Pipeline reference for scband-auto-nway-embedding-56367150793443 (READ-ONLY COPY).

The authoritative reference and input builder live on the scoring server;
editing this copy changes nothing except your own understanding.
"""

import jax, jax.numpy as jnp
import numpy as np

VOCAB = 1000
D1, D2 = 16, 8  # factor dims for embedding_dimension=128, num_factors=2
B, L = 4096, 200


def setup_inputs(seed: int = 0) -> dict:
    key = jax.random.key(seed)
    k1, k2, k3 = jax.random.split(key, 3)
    token_ids = jax.random.randint(k1, (B, L), 0, VOCAB, dtype=jnp.int32)
    W1 = jax.random.normal(k2, (VOCAB, D1), dtype=jnp.float32) * 0.05
    W2 = jax.random.normal(k3, (VOCAB, D2), dtype=jnp.float32) * 0.05
    return {"token_ids": token_ids, "W1": W1, "W2": W2}


def reference(token_ids, W1, W2):
    # factor embedding lookups
    e1 = jnp.take(W1, token_ids, axis=0)  # [B, L, D1]
    e2 = jnp.take(W2, token_ids, axis=0)  # [B, L, D2]
    # outer product combine: expand_dims(-1) * expand_dims(-2), reshape to D1*D2
    combined = e1[..., :, None] * e2[..., None, :]  # [B, L, D1, D2]
    out = jnp.reshape(combined, (token_ids.shape[0], token_ids.shape[1], D1 * D2))
    return out

if __name__ == "__main__":
    import jax
    _d = setup_inputs()
    print(jax.jit(kernel)(*tuple(_d.values())))

</pallas_src>

<mosaic_0001>
#map = affine_map<(d0, d1) -> (0, 0)>
module attributes {stable_mosaic.version = 14 : i64} {
  func.func @gather(%arg0: i32, %arg1: i32, %arg2: memref<6400x128xi32, #tpu.memory_space<hbm>>, %arg3: memref<1024x128xf32, #tpu.memory_space<hbm>>, %arg4: memref<819200x128xf32, #tpu.memory_space<hbm>>, %arg5: memref<200x128xi32, #tpu.memory_space<vmem>>, %arg6: memref<5x128x128xf32, #tpu.memory_space<vmem>>, %arg7: memref<1024x128xf32, #tpu.memory_space<vmem_shared>>, %arg8: memref<!tpu.dma_semaphore, #tpu.memory_space<semaphore_mem>>, %arg9: memref<!tpu.dma_semaphore, #tpu.memory_space<semaphore_mem>>) attributes {dimension_semantics = [#tpu.dimension_semantics<core_parallel>, #tpu.dimension_semantics<subcore_parallel>], iteration_bounds = array<i64: 2, 16>, scalar_prefetch = 0 : i64, scratch_operands = 5 : i64, tpu.core_type = #tpu.core_type<sc_vector_subcore>, window_params = [{transform_indices = #map}, {transform_indices = #map}, {transform_indices = #map}]} {
    %mul3A = arith.constant 2 : i32
    %mul3A_0 = arith.muli %arg1, %mul3A : i32
    %add3A = arith.addi %mul3A_0, %arg0 : i32
    %mul3A_1 = arith.constant 200 : i32
    %mul3A_2 = arith.muli %add3A, %mul3A_1 : i32
    %mul3A_3 = arith.constant 64 : i32
    %mul3A_4 = arith.muli %arg1, %mul3A_3 : i32
    %mul3A_5 = arith.constant 64 : i32
    %mul3A_6 = arith.muli %arg1, %mul3A_5 : i32
    "tpu.region"() ({
      %run_scoped3A = tpu.sem_alloc : memref<!tpu.dma_semaphore, #tpu.memory_space<semaphore_mem>>
      %dma_start3A_174 = arith.constant 0 : i32
      %dma_start3A_175 = tpu.memref_slice %arg7[%mul3A_6, %dma_start3A_174] : memref<1024x128xf32, #tpu.memory_space<vmem_shared>> -> memref<64x128xf32, #tpu.memory_space<vmem_shared>>
      %dma_start3A_176 = arith.constant 0 : i32
      %dma_start3A_177 = tpu.memref_slice %arg3[%mul3A_4, %dma_start3A_176] : memref<1024x128xf32, #tpu.memory_space<hbm>> -> memref<64x128xf32, #tpu.memory_space<hbm>>
      tpu.enqueue_dma source(%dma_start3A_177 : memref<64x128xf32, #tpu.memory_space<hbm>>) target(%dma_start3A_175 : memref<64x128xf32, #tpu.memory_space<vmem_shared>>) target_semaphore(%run_scoped3A : memref<!tpu.dma_semaphore, #tpu.memory_space<semaphore_mem>>)
      %dma_wait3A_178 = arith.constant 0 : i32
      %dma_wait3A_179 = tpu.memref_slice %arg7[%mul3A_6, %dma_wait3A_178] : memref<1024x128xf32, #tpu.memory_space<vmem_shared>> -> memref<64x128xf32, #tpu.memory_space<vmem_shared>>
      %dma_wait3A_180 = arith.constant 0 : i32
      %dma_wait3A_181 = tpu.memref_slice %arg3[%mul3A_4, %dma_wait3A_180] : memref<1024x128xf32, #tpu.memory_space<hbm>> -> memref<64x128xf32, #tpu.memory_space<hbm>>
      tpu.wait_dma2 semaphore(%run_scoped3A : memref<!tpu.dma_semaphore, #tpu.memory_space<semaphore_mem>>) src(%dma_wait3A_181 : memref<64x128xf32, #tpu.memory_space<hbm>>) dst(%dma_wait3A_179 : memref<64x128xf32, #tpu.memory_space<vmem_shared>>)
      tpu.yield
    }) : () -> ()
    "tpu.region"() ({
      %run_scoped3A = tpu.sem_alloc : memref<!tpu.dma_semaphore, #tpu.memory_space<semaphore_mem>>
      %dma_start3A_174 = arith.constant 0 : i32
      %dma_start3A_175 = tpu.memref_slice %arg2[%mul3A_2, %dma_start3A_174] : memref<6400x128xi32, #tpu.memory_space<hbm>> -> memref<200x128xi32, #tpu.memory_space<hbm>>
      %dma_start3A_176 = arith.constant 0 : i32
      %dma_start3A_177 = tpu.memref_slice %arg2[%mul3A_2, %dma_start3A_176] : memref<6400x128xi32, #tpu.memory_space<hbm>> -> memref<200x128xi32, #tpu.memory_space<hbm>>
      tpu.enqueue_dma source(%dma_start3A_177 : memref<200x128xi32, #tpu.memory_space<hbm>>) target(%arg5 : memref<200x128xi32, #tpu.memory_space<vmem>>) target_semaphore(%run_scoped3A : memref<!tpu.dma_semaphore, #tpu.memory_space<semaphore_mem>>)
      %dma_wait3A_178 = arith.constant 0 : i32
      %dma_wait3A_179 = tpu.memref_slice %arg2[%mul3A_2, %dma_wait3A_178] : memref<6400x128xi32, #tpu.memory_space<hbm>> -> memref<200x128xi32, #tpu.memory_space<hbm>>
      %dma_wait3A_180 = arith.constant 0 : i32
      %dma_wait3A_181 = tpu.memref_slice %arg2[%mul3A_2, %dma_wait3A_180] : memref<6400x128xi32, #tpu.memory_space<hbm>> -> memref<200x128xi32, #tpu.memory_space<hbm>>
      tpu.wait_dma2 semaphore(%run_scoped3A : memref<!tpu.dma_semaphore, #tpu.memory_space<semaphore_mem>>) src(%dma_wait3A_181 : memref<200x128xi32, #tpu.memory_space<hbm>>) dst(%arg5 : memref<200x128xi32, #tpu.memory_space<vmem>>)
      tpu.yield
    }) : () -> ()
    %barrier3A = arith.constant 0 : index
    tpu.barrier barrier_id(%barrier3A)
    %dma_start3A = arith.constant 0 : i32
    %dma_start3A_7 = arith.constant 0 : i32
    %dma_start3A_8 = arith.constant 0 : i32
    %dma_start3A_9 = arith.constant 0 : i32
    %dma_start3A_10 = tpu.memref_slice %arg6[%dma_start3A_7, %dma_start3A_8, %dma_start3A_9] : memref<5x128x128xf32, #tpu.memory_space<vmem>> -> memref<1x128x128xf32, #tpu.memory_space<vmem>>
    %dma_start3A_11 = tpu.memref_squeeze %dma_start3A_10 : memref<1x128x128xf32, #tpu.memory_space<vmem>> -> memref<128x128xf32, #tpu.memory_space<vmem>>
    %dma_start3A_12 = arith.constant 0 : i32
    %dma_start3A_13 = tpu.memref_slice %arg5[%dma_start3A, %dma_start3A_12] : memref<200x128xi32, #tpu.memory_space<vmem>> -> memref<1x128xi32, #tpu.memory_space<vmem>>
    %dma_start3A_14 = tpu.memref_squeeze %dma_start3A_13 : memref<1x128xi32, #tpu.memory_space<vmem>> -> memref<128xi32, #tpu.memory_space<vmem>>
    %dma_start3A_15 = arith.constant 0 : i32
    %dma_start3A_16 = arith.constant 0 : i32
    %dma_start3A_17 = tpu.memref_slice %arg7[%dma_start3A_15, %dma_start3A_16] : memref<1024x128xf32, #tpu.memory_space<vmem_shared>> -> memref<1024x128xf32, #tpu.memory_space<vmem_shared>>
    tpu.enqueue_indirect_dma source(%dma_start3A_17 : memref<1024x128xf32, #tpu.memory_space<vmem_shared>>) target(%dma_start3A_11 : memref<128x128xf32, #tpu.memory_space<vmem>>) offsets(%dma_start3A_14 : memref<128xi32, #tpu.memory_space<vmem>>) semaphore(%arg8 : memref<!tpu.dma_semaphore, #tpu.memory_space<semaphore_mem>>)
    %dma_start3A_18 = arith.constant 1 : i32
    %dma_start3A_19 = arith.constant 1 : i32
    %dma_start3A_20 = arith.constant 0 : i32
    %dma_start3A_21 = arith.constant 0 : i32
    %dma_start3A_22 = tpu.memref_slice %arg6[%dma_start3A_19, %dma_start3A_20, %dma_start3A_21] : memref<5x128x128xf32, #tpu.memory_space<vmem>> -> memref<1x128x128xf32, #tpu.memory_space<vmem>>
    %dma_start3A_23 = tpu.memref_squeeze %dma_start3A_22 : memref<1x128x128xf32, #tpu.memory_space<vmem>> -> memref<128x128xf32, #tpu.memory_space<vmem>>
    %dma_start3A_24 = arith.constant 0 : i32
    %dma_start3A_25 = tpu.memref_slice %arg5[%dma_start3A_18, %dma_start3A_24] : memref<200x128xi32, #tpu.memory_space<vmem>> -> memref<1x128xi32, #tpu.memory_space<vmem>>
    %dma_start3A_26 = tpu.memref_squeeze %dma_start3A_25 : memref<1x128xi32, #tpu.memory_space<vmem>> -> memref<128xi32, #tpu.memory_space<vmem>>
    %dma_start3A_27 = arith.constant 0 : i32
    %dma_start3A_28 = arith.constant 0 : i32
    %dma_start3A_29 = tpu.memref_slice %arg7[%dma_start3A_27, %dma_start3A_28] : memref<1024x128xf32, #tpu.memory_space<vmem_shared>> -> memref<1024x128xf32, #tpu.memory_space<vmem_shared>>
    tpu.enqueue_indirect_dma source(%dma_start3A_29 : memref<1024x128xf32, #tpu.memory_space<vmem_shared>>) target(%dma_start3A_23 : memref<128x128xf32, #tpu.memory_space<vmem>>) offsets(%dma_start3A_26 : memref<128xi32, #tpu.memory_space<vmem>>) semaphore(%arg8 : memref<!tpu.dma_semaphore, #tpu.memory_space<semaphore_mem>>)
    %dma_start3A_30 = arith.constant 2 : i32
    %dma_start3A_31 = arith.constant 2 : i32
    %dma_start3A_32 = arith.constant 0 : i32
    %dma_start3A_33 = arith.constant 0 : i32
    %dma_start3A_34 = tpu.memref_slice %arg6[%dma_start3A_31, %dma_start3A_32, %dma_start3A_33] : memref<5x128x128xf32, #tpu.memory_space<vmem>> -> memref<1x128x128xf32, #tpu.memory_space<vmem>>
    %dma_start3A_35 = tpu.memref_squeeze %dma_start3A_34 : memref<1x128x128xf32, #tpu.memory_space<vmem>> -> memref<128x128xf32, #tpu.memory_space<vmem>>
    %dma_start3A_36 = arith.constant 0 : i32
    %dma_start3A_37 = tpu.memref_slice %arg5[%dma_start3A_30, %dma_start3A_36] : memref<200x128xi32, #tpu.memory_space<vmem>> -> memref<1x128xi32, #tpu.memory_space<vmem>>
    %dma_start3A_38 = tpu.memref_squeeze %dma_start3A_37 : memref<1x128xi32, #tpu.memory_space<vmem>> -> memref<128xi32, #tpu.memory_space<vmem>>
    %dma_start3A_39 = arith.constant 0 : i32
    %dma_start3A_40 = arith.constant 0 : i32
    %dma_start3A_41 = tpu.memref_slice %arg7[%dma_start3A_39, %dma_start3A_40] : memref<1024x128xf32, #tpu.memory_space<vmem_shared>> -> memref<1024x128xf32, #tpu.memory_space<vmem_shared>>
    tpu.enqueue_indirect_dma source(%dma_start3A_41 : memref<1024x128xf32, #tpu.memory_space<vmem_shared>>) target(%dma_start3A_35 : memref<128x128xf32, #tpu.memory_space<vmem>>) offsets(%dma_start3A_38 : memref<128xi32, #tpu.memory_space<vmem>>) semaphore(%arg8 : memref<!tpu.dma_semaphore, #tpu.memory_space<semaphore_mem>>)
    %dma_start3A_42 = arith.constant 3 : i32
    %dma_start3A_43 = arith.constant 3 : i32
    %dma_start3A_44 = arith.constant 0 : i32
    %dma_start3A_45 = arith.constant 0 : i32
    %dma_start3A_46 = tpu.memref_slice %arg6[%dma_start3A_43, %dma_start3A_44, %dma_start3A_45] : memref<5x128x128xf32, #tpu.memory_space<vmem>> -> memref<1x128x128xf32, #tpu.memory_space<vmem>>
    %dma_start3A_47 = tpu.memref_squeeze %dma_start3A_46 : memref<1x128x128xf32, #tpu.memory_space<vmem>> -> memref<128x128xf32, #tpu.memory_space<vmem>>
    %dma_start3A_48 = arith.constant 0 : i32
    %dma_start3A_49 = tpu.memref_slice %arg5[%dma_start3A_42, %dma_start3A_48] : memref<200x128xi32, #tpu.memory_space<vmem>> -> memref<1x128xi32, #tpu.memory_space<vmem>>
    %dma_start3A_50 = tpu.memref_squeeze %dma_start3A_49 : memref<1x128xi32, #tpu.memory_space<vmem>> -> memref<128xi32, #tpu.memory_space<vmem>>
    %dma_start3A_51 = arith.constant 0 : i32
    %dma_start3A_52 = arith.constant 0 : i32
    %dma_start3A_53 = tpu.memref_slice %arg7[%dma_start3A_51, %dma_start3A_52] : memref<1024x128xf32, #tpu.memory_space<vmem_shared>> -> memref<1024x128xf32, #tpu.memory_space<vmem_shared>>
    tpu.enqueue_indirect_dma source(%dma_start3A_53 : memref<1024x128xf32, #tpu.memory_space<vmem_shared>>) target(%dma_start3A_47 : memref<128x128xf32, #tpu.memory_space<vmem>>) offsets(%dma_start3A_50 : memref<128xi32, #tpu.memory_space<vmem>>) semaphore(%arg8 : memref<!tpu.dma_semaphore, #tpu.memory_space<semaphore_mem>>)
    %dma_start3A_54 = arith.constant 4 : i32
    %dma_start3A_55 = arith.constant 4 : i32
    %dma_start3A_56 = arith.constant 0 : i32
    %dma_start3A_57 = arith.constant 0 : i32
    %dma_start3A_58 = tpu.memref_slice %arg6[%dma_start3A_55, %dma_start3A_56, %dma_start3A_57] : memref<5x128x128xf32, #tpu.memory_space<vmem>> -> memref<1x128x128xf32, #tpu.memory_space<vmem>>
    %dma_start3A_59 = tpu.memref_squeeze %dma_start3A_58 : memref<1x128x128xf32, #tpu.memory_space<vmem>> -> memref<128x128xf32, #tpu.memory_space<vmem>>
    %dma_start3A_60 = arith.constant 0 : i32
    %dma_start3A_61 = tpu.memref_slice %arg5[%dma_start3A_54, %dma_start3A_60] : memref<200x128xi32, #tpu.memory_space<vmem>> -> memref<1x128xi32, #tpu.memory_space<vmem>>
    %dma_start3A_62 = tpu.memref_squeeze %dma_start3A_61 : memref<1x128xi32, #tpu.memory_space<vmem>> -> memref<128xi32, #tpu.memory_space<vmem>>
    %dma_start3A_63 = arith.constant 0 : i32
    %dma_start3A_64 = arith.constant 0 : i32
    %dma_start3A_65 = tpu.memref_slice %arg7[%dma_start3A_63, %dma_start3A_64] : memref<1024x128xf32, #tpu.memory_space<vmem_shared>> -> memref<1024x128xf32, #tpu.memory_space<vmem_shared>>
    tpu.enqueue_indirect_dma source(%dma_start3A_65 : memref<1024x128xf32, #tpu.memory_space<vmem_shared>>) target(%dma_start3A_59 : memref<128x128xf32, #tpu.memory_space<vmem>>) offsets(%dma_start3A_62 : memref<128xi32, #tpu.memory_space<vmem>>) semaphore(%arg8 : memref<!tpu.dma_semaphore, #tpu.memory_space<semaphore_mem>>)
    %scan3A = arith.constant 0 : i32
    %scan3A_66 = arith.constant 0 : i32
    %scan3A_67 = arith.constant 40 : i32
    %scan3A_68 = arith.addi %scan3A_66, %scan3A_67 : i32
    %scan3A_69 = arith.constant 1 : i32
    scf.for %scan3A_174 = %scan3A_66 to %scan3A_68 step %scan3A_69  : i32 {
      %mul3A_175 = arith.constant 5 : i32
      %mul3A_176 = arith.muli %scan3A_174, %mul3A_175 : i32
      %add3A_177 = arith.constant 0 : i32
      %add3A_178 = arith.addi %mul3A_176, %add3A_177 : i32
      %dma_wait3A_179 = arith.constant 0 : i32
      %dma_wait3A_180 = arith.constant 0 : i32
      %dma_wait3A_181 = arith.constant 0 : i32
      %dma_wait3A_182 = tpu.memref_slice %arg6[%dma_wait3A_179, %dma_wait3A_180, %dma_wait3A_181] : memref<5x128x128xf32, #tpu.memory_space<vmem>> -> memref<1x128x128xf32, #tpu.memory_space<vmem>>
      %dma_wait3A_183 = tpu.memref_squeeze %dma_wait3A_182 : memref<1x128x128xf32, #tpu.memory_space<vmem>> -> memref<128x128xf32, #tpu.memory_space<vmem>>
      %dma_wait3A_184 = arith.constant 0 : i32
      %dma_wait3A_185 = tpu.memref_slice %arg5[%add3A_178, %dma_wait3A_184] : memref<200x128xi32, #tpu.memory_space<vmem>> -> memref<1x128xi32, #tpu.memory_space<vmem>>
      %dma_wait3A_186 = tpu.memref_squeeze %dma_wait3A_185 : memref<1x128xi32, #tpu.memory_space<vmem>> -> memref<128xi32, #tpu.memory_space<vmem>>
      %dma_wait3A_187 = arith.constant 0 : i32
      %dma_wait3A_188 = arith.constant 0 : i32
      %dma_wait3A_189 = tpu.memref_slice %arg7[%dma_wait3A_187, %dma_wait3A_188] : memref<1024x128xf32, #tpu.memory_space<vmem_shared>> -> memref<1024x128xf32, #tpu.memory_space<vmem_shared>>
      tpu.wait_indirect_dma semaphore(%arg8 : memref<!tpu.dma_semaphore, #tpu.memory_space<semaphore_mem>>) src(%dma_wait3A_189 : memref<1024x128xf32, #tpu.memory_space<vmem_shared>>) dst(%dma_wait3A_183 : memref<128x128xf32, #tpu.memory_space<vmem>>)
      %add3A_190 = arith.addi %mul3A_2, %mul3A_176 : i32
      %add3A_191 = arith.constant 0 : i32
      %add3A_192 = arith.addi %add3A_190, %add3A_191 : i32
      %mul3A_193 = arith.constant 128 : i32
      %mul3A_194 = arith.muli %add3A_192, %mul3A_193 : i32
      %dma_start3A_195 = arith.constant 0 : i32
      %dma_start3A_196 = arith.constant 0 : i32
      %dma_start3A_197 = arith.constant 0 : i32
      %dma_start3A_198 = tpu.memref_slice %arg6[%dma_start3A_195, %dma_start3A_196, %dma_start3A_197] : memref<5x128x128xf32, #tpu.memory_space<vmem>> -> memref<1x128x128xf32, #tpu.memory_space<vmem>>
      %dma_start3A_199 = tpu.memref_squeeze %dma_start3A_198 : memref<1x128x128xf32, #tpu.memory_space<vmem>> -> memref<128x128xf32, #tpu.memory_space<vmem>>
      %dma_start3A_200 = arith.constant 0 : i32
      %dma_start3A_201 = tpu.memref_slice %arg4[%mul3A_194, %dma_start3A_200] : memref<819200x128xf32, #tpu.memory_space<hbm>> -> memref<128x128xf32, #tpu.memory_space<hbm>>
      %dma_start3A_202 = arith.constant 0 : i32
      %dma_start3A_203 = tpu.memref_slice %arg4[%mul3A_194, %dma_start3A_202] : memref<819200x128xf32, #tpu.memory_space<hbm>> -> memref<128x128xf32, #tpu.memory_space<hbm>>
      %dma_start3A_204 = arith.constant 0 : i32
      %dma_start3A_205 = arith.constant 0 : i32
      %dma_start3A_206 = tpu.memref_slice %arg6[%dma_start3A_195, %dma_start3A_204, %dma_start3A_205] : memref<5x128x128xf32, #tpu.memory_space<vmem>> -> memref<1x128x128xf32, #tpu.memory_space<vmem>>
      %dma_start3A_207 = tpu.memref_squeeze %dma_start3A_206 : memref<1x128x128xf32, #tpu.memory_space<vmem>> -> memref<128x128xf32, #tpu.memory_space<vmem>>
      tpu.enqueue_dma source(%dma_start3A_207 : memref<128x128xf32, #tpu.memory_space<vmem>>) target(%dma_start3A_203 : memref<128x128xf32, #tpu.memory_space<hbm>>) target_semaphore(%arg9 : memref<!tpu.dma_semaphore, #tpu.memory_space<semaphore_mem>>)
      %add3A_208 = arith.constant 0 : i32
      %add3A_209 = arith.addi %mul3A_176, %add3A_208 : i32
      %add3A_210 = arith.constant 5 : i32
      %add3A_211 = arith.addi %add3A_209, %add3A_210 : i32
      %lt3A = arith.constant 200 : i32
      %lt3A_212 = arith.cmpi slt, %add3A_211, %lt3A : i32
      %convert_element_type3A = arith.extui %lt3A_212 : i1 to i32
      %cond3A = arith.constant 0 : i32
      %cond3A_213 = arith.cmpi ne, %convert_element_type3A, %cond3A : i32
      scf.if %cond3A_213 {
        %add3A_374 = arith.addi %mul3A_2, %add3A_211 : i32
        %sub3A_375 = arith.constant 5 : i32
        %sub3A_376 = arith.subi %add3A_374, %sub3A_375 : i32
        %mul3A_377 = arith.constant 128 : i32
        %mul3A_378 = arith.muli %sub3A_376, %mul3A_377 : i32
        %dma_wait3A_379 = arith.constant 0 : i32
        %dma_wait3A_380 = arith.constant 0 : i32
        %dma_wait3A_381 = arith.constant 0 : i32
        %dma_wait3A_382 = tpu.memref_slice %arg6[%dma_wait3A_379, %dma_wait3A_380, %dma_wait3A_381] : memref<5x128x128xf32, #tpu.memory_space<vmem>> -> memref<1x128x128xf32, #tpu.memory_space<vmem>>
        %dma_wait3A_383 = tpu.memref_squeeze %dma_wait3A_382 : memref<1x128x128xf32, #tpu.memory_space<vmem>> -> memref<128x128xf32, #tpu.memory_space<vmem>>
        %dma_wait3A_384 = arith.constant 0 : i32
        %dma_wait3A_385 = tpu.memref_slice %arg4[%mul3A_378, %dma_wait3A_384] : memref<819200x128xf32, #tpu.memory_space<hbm>> -> memref<128x128xf32, #tpu.memory_space<hbm>>
        %dma_wait3A_386 = arith.constant 0 : i32
        %dma_wait3A_387 = tpu.memref_slice %arg4[%mul3A_378, %dma_wait3A_386] : memref<819200x128xf32, #tpu.memory_space<hbm>> -> memref<128x128xf32, #tpu.memory_space<hbm>>
        %dma_wait3A_388 = arith.constant 0 : i32
        %dma_wait3A_389 = arith.constant 0 : i32
        %dma_wait3A_390 = tpu.memref_slice %arg6[%dma_wait3A_379, %dma_wait3A_388, %dma_wait3A_389] : memref<5x128x128xf32, #tpu.memory_space<vmem>> -> memref<1x128x128xf32, #tpu.memory_space<vmem>>
        %dma_wait3A_391 = tpu.memref_squeeze %dma_wait3A_390 : memref<1x128x128xf32, #tpu.memory_space<vmem>> -> memref<128x128xf32, #tpu.memory_space<vmem>>
        tpu.wait_dma2 semaphore(%arg9 : memref<!tpu.dma_semaphore, #tpu.memory_space<semaphore_mem>>) src(%dma_wait3A_391 : memref<128x128xf32, #tpu.memory_space<vmem>>) dst(%dma_wait3A_387 : memref<128x128xf32, #tpu.memory_space<hbm>>)
        %dma_start3A_392 = arith.constant 0 : i32
        %dma_start3A_393 = arith.constant 0 : i32
        %dma_start3A_394 = arith.constant 0 : i32
        %dma_start3A_395 = tpu.memref_slice %arg6[%dma_start3A_392, %dma_start3A_393, %dma_start3A_394] : memref<5x128x128xf32, #tpu.memory_space<vmem>> -> memref<1x128x128xf32, #tpu.memory_space<vmem>>
        %dma_start3A_396 = tpu.memref_squeeze %dma_start3A_395 : memref<1x128x128xf32, #tpu.memory_space<vmem>> -> memref<128x128xf32, #tpu.memory_space<vmem>>
        %dma_start3A_397 = arith.constant 0 : i32
        %dma_start3A_398 = tpu.memref_slice %arg5[%add3A_211, %dma_start3A_397] : memref<200x128xi32, #tpu.memory_space<vmem>> -> memref<1x128xi32, #tpu.memory_space<vmem>>
        %dma_start3A_399 = tpu.memref_squeeze %dma_start3A_398 : memref<1x128xi32, #tpu.memory_space<vmem>> -> memref<128xi32, #tpu.memory_space<vmem>>
        %dma_start3A_400 = arith.constant 0 : i32
        %dma_start3A_401 = arith.constant 0 : i32
        %dma_start3A_402 = tpu.memref_slice %arg7[%dma_start3A_400, %dma_start3A_401] : memref<1024x128xf32, #tpu.memory_space<vmem_shared>> -> memref<1024x128xf32, #tpu.memory_space<vmem_shared>>
        tpu.enqueue_indirect_dma source(%dma_start3A_402 : memref<1024x128xf32, #tpu.memory_space<vmem_shared>>) target(%dma_start3A_396 : memref<128x128xf32, #tpu.memory_space<vmem>>) offsets(%dma_start3A_399 : memref<128xi32, #tpu.memory_space<vmem>>) semaphore(%arg8 : memref<!tpu.dma_semaphore, #tpu.memory_space<semaphore_mem>>)
      } else {
      }
      %add3A_214 = arith.constant 1 : i32
      %add3A_215 = arith.addi %mul3A_176, %add3A_214 : i32
      %dma_wait3A_216 = arith.constant 1 : i32
      %dma_wait3A_217 = arith.constant 0 : i32
      %dma_wait3A_218 = arith.constant 0 : i32
      %dma_wait3A_219 = tpu.memref_slice %arg6[%dma_wait3A_216, %dma_wait3A_217, %dma_wait3A_218] : memref<5x128x128xf32, #tpu.memory_space<vmem>> -> memref<1x128x128xf32, #tpu.memory_space<vmem>>
      %dma_wait3A_220 = tpu.memref_squeeze %dma_wait3A_219 : memref<1x128x128xf32, #tpu.memory_space<vmem>> -> memref<128x128xf32, #tpu.memory_space<vmem>>
      %dma_wait3A_221 = arith.constant 0 : i32
      %dma_wait3A_222 = tpu.memref_slice %arg5[%add3A_215, %dma_wait3A_221] : memref<200x128xi32, #tpu.memory_space<vmem>> -> memref<1x128xi32, #tpu.memory_space<vmem>>
      %dma_wait3A_223 = tpu.memref_squeeze %dma_wait3A_222 : memref<1x128xi32, #tpu.memory_space<vmem>> -> memref<128xi32, #tpu.memory_space<vmem>>
      %dma_wait3A_224 = arith.constant 0 : i32
      %dma_wait3A_225 = arith.constant 0 : i32
      %dma_wait3A_226 = tpu.memref_slice %arg7[%dma_wait3A_224, %dma_wait3A_225] : memref<1024x128xf32, #tpu.memory_space<vmem_shared>> -> memref<1024x128xf32, #tpu.memory_space<vmem_shared>>
      tpu.wait_indirect_dma semaphore(%arg8 : memref<!tpu.dma_semaphore, #tpu.memory_space<semaphore_mem>>) src(%dma_wait3A_226 : memref<1024x128xf32, #tpu.memory_space<vmem_shared>>) dst(%dma_wait3A_220 : memref<128x128xf32, #tpu.memory_space<vmem>>)
      %add3A_227 = arith.addi %mul3A_2, %mul3A_176 : i32
      %add3A_228 = arith.constant 1 : i32
      %add3A_229 = arith.addi %add3A_227, %add3A_228 : i32
      %mul3A_230 = arith.constant 128 : i32
      %mul3A_231 = arith.muli %add3A_229, %mul3A_230 : i32
      %dma_start3A_232 = arith.constant 1 : i32
      %dma_start3A_233 = arith.constant 0 : i32
      %dma_start3A_234 = arith.constant 0 : i32
      %dma_start3A_235 = tpu.memref_slice %arg6[%dma_start3A_232, %dma_start3A_233, %dma_start3A_234] : memref<5x128x128xf32, #tpu.memory_space<vmem>> -> memref<1x128x128xf32, #tpu.memory_space<vmem>>
      %dma_start3A_236 = tpu.memref_squeeze %dma_start3A_235 : memref<1x128x128xf32, #tpu.memory_space<vmem>> -> memref<128x128xf32, #tpu.memory_space<vmem>>
      %dma_start3A_237 = arith.constant 0 : i32
      %dma_start3A_238 = tpu.memref_slice %arg4[%mul3A_231, %dma_start3A_237] : memref<819200x128xf32, #tpu.memory_space<hbm>> -> memref<128x128xf32, #tpu.memory_space<hbm>>
      %dma_start3A_239 = arith.constant 0 : i32
      %dma_start3A_240 = tpu.memref_slice %arg4[%mul3A_231, %dma_start3A_239] : memref<819200x128xf32, #tpu.memory_space<hbm>> -> memref<128x128xf32, #tpu.memory_space<hbm>>
      %dma_start3A_241 = arith.constant 0 : i32
      %dma_start3A_242 = arith.constant 0 : i32
      %dma_start3A_243 = tpu.memref_slice %arg6[%dma_start3A_232, %dma_start3A_241, %dma_start3A_242] : memref<5x128x128xf32, #tpu.memory_space<vmem>> -> memref<1x128x128xf32, #tpu.memory_space<vmem>>
      %dma_start3A_244 = tpu.memref_squeeze %dma_start3A_243 : memref<1x128x128xf32, #tpu.memory_space<vmem>> -> memref<128x128xf32, #tpu.memory_space<vmem>>
      tpu.enqueue_dma source(%dma_start3A_244 : memref<128x128xf32, #tpu.memory_space<vmem>>) target(%dma_start3A_240 : memref<128x128xf32, #tpu.memory_space<hbm>>) target_semaphore(%arg9 : memref<!tpu.dma_semaphore, #tpu.memory_space<semaphore_mem>>)
      %add3A_245 = arith.constant 1 : i32
      %add3A_246 = arith.addi %mul3A_176, %add3A_245 : i32
      %add3A_247 = arith.constant 5 : i32
      %add3A_248 = arith.addi %add3A_246, %add3A_247 : i32
      %lt3A_249 = arith.constant 200 : i32
      %lt3A_250 = arith.cmpi slt, %add3A_248, %lt3A_249 : i32
      %convert_element_type3A_251 = arith.extui %lt3A_250 : i1 to i32
      %cond3A_252 = arith.constant 0 : i32
      %cond3A_253 = arith.cmpi ne, %convert_element_type3A_251, %cond3A_252 : i32
      scf.if %cond3A_253 {
        %add3A_374 = arith.addi %mul3A_2, %add3A_248 : i32
        %sub3A_375 = arith.constant 5 : i32
        %sub3A_376 = arith.subi %add3A_374, %sub3A_375 : i32
        %mul3A_377 = arith.constant 128 : i32
        %mul3A_378 = arith.muli %sub3A_376, %mul3A_377 : i32
        %dma_wait3A_379 = arith.constant 1 : i32
        %dma_wait3A_380 = arith.constant 0 : i32
        %dma_wait3A_381 = arith.constant 0 : i32
        %dma_wait3A_382 = tpu.memref_slice %arg6[%dma_wait3A_379, %dma_wait3A_380, %dma_wait3A_381] : memref<5x128x128xf32, #tpu.memory_space<vmem>> -> memref<1x128x128xf32, #tpu.memory_space<vmem>>
        %dma_wait3A_383 = tpu.memref_squeeze %dma_wait3A_382 : memref<1x128x128xf32, #tpu.memory_space<vmem>> -> memref<128x128xf32, #tpu.memory_space<vmem>>
        %dma_wait3A_384 = arith.constant 0 : i32
        %dma_wait3A_385 = tpu.memref_slice %arg4[%mul3A_378, %dma_wait3A_384] : memref<819200x128xf32, #tpu.memory_space<hbm>> -> memref<128x128xf32, #tpu.memory_space<hbm>>
        %dma_wait3A_386 = arith.constant 0 : i32
        %dma_wait3A_387 = tpu.memref_slice %arg4[%mul3A_378, %dma_wait3A_386] : memref<819200x128xf32, #tpu.memory_space<hbm>> -> memref<128x128xf32, #tpu.memory_space<hbm>>
        %dma_wait3A_388 = arith.constant 0 : i32
        %dma_wait3A_389 = arith.constant 0 : i32
        %dma_wait3A_390 = tpu.memref_slice %arg6[%dma_wait3A_379, %dma_wait3A_388, %dma_wait3A_389] : memref<5x128x128xf32, #tpu.memory_space<vmem>> -> memref<1x128x128xf32, #tpu.memory_space<vmem>>
        %dma_wait3A_391 = tpu.memref_squeeze %dma_wait3A_390 : memref<1x128x128xf32, #tpu.memory_space<vmem>> -> memref<128x128xf32, #tpu.memory_space<vmem>>
        tpu.wait_dma2 semaphore(%arg9 : memref<!tpu.dma_semaphore, #tpu.memory_space<semaphore_mem>>) src(%dma_wait3A_391 : memref<128x128xf32, #tpu.memory_space<vmem>>) dst(%dma_wait3A_387 : memref<128x128xf32, #tpu.memory_space<hbm>>)
        %dma_start3A_392 = arith.constant 1 : i32
        %dma_start3A_393 = arith.constant 0 : i32
        %dma_start3A_394 = arith.constant 0 : i32
        %dma_start3A_395 = tpu.memref_slice %arg6[%dma_start3A_392, %dma_start3A_393, %dma_start3A_394] : memref<5x128x128xf32, #tpu.memory_space<vmem>> -> memref<1x128x128xf32, #tpu.memory_space<vmem>>
        %dma_start3A_396 = tpu.memref_squeeze %dma_start3A_395 : memref<1x128x128xf32, #tpu.memory_space<vmem>> -> memref<128x128xf32, #tpu.memory_space<vmem>>
        %dma_start3A_397 = arith.constant 0 : i32
        %dma_start3A_398 = tpu.memref_slice %arg5[%add3A_248, %dma_start3A_397] : memref<200x128xi32, #tpu.memory_space<vmem>> -> memref<1x128xi32, #tpu.memory_space<vmem>>
        %dma_start3A_399 = tpu.memref_squeeze %dma_start3A_398 : memref<1x128xi32, #tpu.memory_space<vmem>> -> memref<128xi32, #tpu.memory_space<vmem>>
        %dma_start3A_400 = arith.constant 0 : i32
        %dma_start3A_401 = arith.constant 0 : i32
        %dma_start3A_402 = tpu.memref_slice %arg7[%dma_start3A_400, %dma_start3A_401] : memref<1024x128xf32, #tpu.memory_space<vmem_shared>> -> memref<1024x128xf32, #tpu.memory_space<vmem_shared>>
        tpu.enqueue_indirect_dma source(%dma_start3A_402 : memref<1024x128xf32, #tpu.memory_space<vmem_shared>>) target(%dma_start3A_396 : memref<128x128xf32, #tpu.memory_space<vmem>>) offsets(%dma_start3A_399 : memref<128xi32, #tpu.memory_space<vmem>>) semaphore(%arg8 : memref<!tpu.dma_semaphore, #tpu.memory_space<semaphore_mem>>)
      } else {
      }
      %add3A_254 = arith.constant 2 : i32
      %add3A_255 = arith.addi %mul3A_176, %add3A_254 : i32
      %dma_wait3A_256 = arith.constant 2 : i32
      %dma_wait3A_257 = arith.constant 0 : i32
      %dma_wait3A_258 = arith.constant 0 : i32
      %dma_wait3A_259 = tpu.memref_slice %arg6[%dma_wait3A_256, %dma_wait3A_257, %dma_wait3A_258] : memref<5x128x128xf32, #tpu.memory_space<vmem>> -> memref<1x128x128xf32, #tpu.memory_space<vmem>>
      %dma_wait3A_260 = tpu.memref_squeeze %dma_wait3A_259 : memref<1x128x128xf32, #tpu.memory_space<vmem>> -> memref<128x128xf32, #tpu.memory_space<vmem>>
      %dma_wait3A_261 = arith.constant 0 : i32
      %dma_wait3A_262 = tpu.memref_slice %arg5[%add3A_255, %dma_wait3A_261] : memref<200x128xi32, #tpu.memory_space<vmem>> -> memref<1x128xi32, #tpu.memory_space<vmem>>
      %dma_wait3A_263 = tpu.memref_squeeze %dma_wait3A_262 : memref<1x128xi32, #tpu.memory_space<vmem>> -> memref<128xi32, #tpu.memory_space<vmem>>
      %dma_wait3A_264 = arith.constant 0 : i32
      %dma_wait3A_265 = arith.constant 0 : i32
      %dma_wait3A_266 = tpu.memref_slice %arg7[%dma_wait3A_264, %dma_wait3A_265] : memref<1024x128xf32, #tpu.memory_space<vmem_shared>> -> memref<1024x128xf32, #tpu.memory_space<vmem_shared>>
      tpu.wait_indirect_dma semaphore(%arg8 : memref<!tpu.dma_semaphore, #tpu.memory_space<semaphore_mem>>) src(%dma_wait3A_266 : memref<1024x128xf32, #tpu.memory_space<vmem_shared>>) dst(%dma_wait3A_260 : memref<128x128xf32, #tpu.memory_space<vmem>>)
      %add3A_267 = arith.addi %mul3A_2, %mul3A_176 : i32
      %add3A_268 = arith.constant 2 : i32
      %add3A_269 = arith.addi %add3A_267, %add3A_268 : i32
      %mul3A_270 = arith.constant 128 : i32
      %mul3A_271 = arith.muli %add3A_269, %mul3A_270 : i32
      %dma_start3A_272 = arith.constant 2 : i32
      %dma_start3A_273 = arith.constant 0 : i32
      %dma_start3A_274 = arith.constant 0 : i32
      %dma_start3A_275 = tpu.memref_slice %arg6[%dma_start3A_272, %dma_start3A_273, %dma_start3A_274] : memref<5x128x128xf32, #tpu.memory_space<vmem>> -> memref<1x128x128xf32, #tpu.memory_space<vmem>>
      %dma_start3A_276 = tpu.memref_squeeze %dma_start3A_275 : memref<1x128x128xf32, #tpu.memory_space<vmem>> -> memref<128x128xf32, #tpu.memory_space<vmem>>
      %dma_start3A_277 = arith.constant 0 : i32
      %dma_start3A_278 = tpu.memref_slice %arg4[%mul3A_271, %dma_start3A_277] : memref<819200x128xf32, #tpu.memory_space<hbm>> -> memref<128x128xf32, #tpu.memory_space<hbm>>
      %dma_start3A_279 = arith.constant 0 : i32
      %dma_start3A_280 = tpu.memref_slice %arg4[%mul3A_271, %dma_start3A_279] : memref<819200x128xf32, #tpu.memory_space<hbm>> -> memref<128x128xf32, #tpu.memory_space<hbm>>
      %dma_start3A_281 = arith.constant 0 : i32
      %dma_start3A_282 = arith.constant 0 : i32
      %dma_start3A_283 = tpu.memref_slice %arg6[%dma_start3A_272, %dma_start3A_281, %dma_start3A_282] : memref<5x128x128xf32, #tpu.memory_space<vmem>> -> memref<1x128x128xf32, #tpu.memory_space<vmem>>
      %dma_start3A_284 = tpu.memref_squeeze %dma_start3A_283 : memref<1x128x128xf32, #tpu.memory_space<vmem>> -> memref<128x128xf32, #tpu.memory_space<vmem>>
      tpu.enqueue_dma source(%dma_start3A_284 : memref<128x128xf32, #tpu.memory_space<vmem>>) target(%dma_start3A_280 : memref<128x128xf32, #tpu.memory_space<hbm>>) target_semaphore(%arg9 : memref<!tpu.dma_semaphore, #tpu.memory_space<semaphore_mem>>)
      %add3A_285 = arith.constant 2 : i32
      %add3A_286 = arith.addi %mul3A_176, %add3A_285 : i32
      %add3A_287 = arith.constant 5 : i32
      %add3A_288 = arith.addi %add3A_286, %add3A_287 : i32
      %lt3A_289 = arith.constant 200 : i32
      %lt3A_290 = arith.cmpi slt, %add3A_288, %lt3A_289 : i32
      %convert_element_type3A_291 = arith.extui %lt3A_290 : i1 to i32
      %cond3A_292 = arith.constant 0 : i32
      %cond3A_293 = arith.cmpi ne, %convert_element_type3A_291, %cond3A_292 : i32
      scf.if %cond3A_293 {
        %add3A_374 = arith.addi %mul3A_2, %add3A_288 : i32
        %sub3A_375 = arith.constant 5 : i32
        %sub3A_376 = arith.subi %add3A_374, %sub3A_375 : i32
        %mul3A_377 = arith.constant 128 : i32
        %mul3A_378 = arith.muli %sub3A_376, %mul3A_377 : i32
        %dma_wait3A_379 = arith.constant 2 : i32
        %dma_wait3A_380 = arith.constant 0 : i32
        %dma_wait3A_381 = arith.constant 0 : i32
        %dma_wait3A_382 = tpu.memref_slice %arg6[%dma_wait3A_379, %dma_wait3A_380, %dma_wait3A_381] : memref<5x128x128xf32, #tpu.memory_space<vmem>> -> memref<1x128x128xf32, #tpu.memory_space<vmem>>
        %dma_wait3A_383 = tpu.memref_squeeze %dma_wait3A_382 : memref<1x128x128xf32, #tpu.memory_space<vmem>> -> memref<128x128xf32, #tpu.memory_space<vmem>>
        %dma_wait3A_384 = arith.constant 0 : i32
        %dma_wait3A_385 = tpu.memref_slice %arg4[%mul3A_378, %dma_wait3A_384] : memref<819200x128xf32, #tpu.memory_space<hbm>> -> memref<128x128xf32, #tpu.memory_space<hbm>>
        %dma_wait3A_386 = arith.constant 0 : i32
        %dma_wait3A_387 = tpu.memref_slice %arg4[%mul3A_378, %dma_wait3A_386] : memref<819200x128xf32, #tpu.memory_space<hbm>> -> memref<128x128xf32, #tpu.memory_space<hbm>>
        %dma_wait3A_388 = arith.constant 0 : i32
        %dma_wait3A_389 = arith.constant 0 : i32
        %dma_wait3A_390 = tpu.memref_slice %arg6[%dma_wait3A_379, %dma_wait3A_388, %dma_wait3A_389] : memref<5x128x128xf32, #tpu.memory_space<vmem>> -> memref<1x128x128xf32, #tpu.memory_space<vmem>>
        %dma_wait3A_391 = tpu.memref_squeeze %dma_wait3A_390 : memref<1x128x128xf32, #tpu.memory_space<vmem>> -> memref<128x128xf32, #tpu.memory_space<vmem>>
        tpu.wait_dma2 semaphore(%arg9 : memref<!tpu.dma_semaphore, #tpu.memory_space<semaphore_mem>>) src(%dma_wait3A_391 : memref<128x128xf32, #tpu.memory_space<vmem>>) dst(%dma_wait3A_387 : memref<128x128xf32, #tpu.memory_space<hbm>>)
        %dma_start3A_392 = arith.constant 2 : i32
        %dma_start3A_393 = arith.constant 0 : i32
        %dma_start3A_394 = arith.constant 0 : i32
        %dma_start3A_395 = tpu.memref_slice %arg6[%dma_start3A_392, %dma_start3A_393, %dma_start3A_394] : memref<5x128x128xf32, #tpu.memory_space<vmem>> -> memref<1x128x128xf32, #tpu.memory_space<vmem>>
        %dma_start3A_396 = tpu.memref_squeeze %dma_start3A_395 : memref<1x128x128xf32, #tpu.memory_space<vmem>> -> memref<128x128xf32, #tpu.memory_space<vmem>>
        %dma_start3A_397 = arith.constant 0 : i32
        %dma_start3A_398 = tpu.memref_slice %arg5[%add3A_288, %dma_start3A_397] : memref<200x128xi32, #tpu.memory_space<vmem>> -> memref<1x128xi32, #tpu.memory_space<vmem>>
        %dma_start3A_399 = tpu.memref_squeeze %dma_start3A_398 : memref<1x128xi32, #tpu.memory_space<vmem>> -> memref<128xi32, #tpu.memory_space<vmem>>
        %dma_start3A_400 = arith.constant 0 : i32
        %dma_start3A_401 = arith.constant 0 : i32
        %dma_start3A_402 = tpu.memref_slice %arg7[%dma_start3A_400, %dma_start3A_401] : memref<1024x128xf32, #tpu.memory_space<vmem_shared>> -> memref<1024x128xf32, #tpu.memory_space<vmem_shared>>
        tpu.enqueue_indirect_dma source(%dma_start3A_402 : memref<1024x128xf32, #tpu.memory_space<vmem_shared>>) target(%dma_start3A_396 : memref<128x128xf32, #tpu.memory_space<vmem>>) offsets(%dma_start3A_399 : memref<128xi32, #tpu.memory_space<vmem>>) semaphore(%arg8 : memref<!tpu.dma_semaphore, #tpu.memory_space<semaphore_mem>>)
      } else {
      }
      %add3A_294 = arith.constant 3 : i32
      %add3A_295 = arith.addi %mul3A_176, %add3A_294 : i32
      %dma_wait3A_296 = arith.constant 3 : i32
      %dma_wait3A_297 = arith.constant 0 : i32
      %dma_wait3A_298 = arith.constant 0 : i32
      %dma_wait3A_299 = tpu.memref_slice %arg6[%dma_wait3A_296, %dma_wait3A_297, %dma_wait3A_298] : memref<5x128x128xf32, #tpu.memory_space<vmem>> -> memref<1x128x128xf32, #tpu.memory_space<vmem>>
      %dma_wait3A_300 = tpu.memref_squeeze %dma_wait3A_299 : memref<1x128x128xf32, #tpu.memory_space<vmem>> -> memref<128x128xf32, #tpu.memory_space<vmem>>
      %dma_wait3A_301 = arith.constant 0 : i32
      %dma_wait3A_302 = tpu.memref_slice %arg5[%add3A_295, %dma_wait3A_301] : memref<200x128xi32, #tpu.memory_space<vmem>> -> memref<1x128xi32, #tpu.memory_space<vmem>>
      %dma_wait3A_303 = tpu.memref_squeeze %dma_wait3A_302 : memref<1x128xi32, #tpu.memory_space<vmem>> -> memref<128xi32, #tpu.memory_space<vmem>>
      %dma_wait3A_304 = arith.constant 0 : i32
      %dma_wait3A_305 = arith.constant 0 : i32
      %dma_wait3A_306 = tpu.memref_slice %arg7[%dma_wait3A_304, %dma_wait3A_305] : memref<1024x128xf32, #tpu.memory_space<vmem_shared>> -> memref<1024x128xf32, #tpu.memory_space<vmem_shared>>
      tpu.wait_indirect_dma semaphore(%arg8 : memref<!tpu.dma_semaphore, #tpu.memory_space<semaphore_mem>>) src(%dma_wait3A_306 : memref<1024x128xf32, #tpu.memory_space<vmem_shared>>) dst(%dma_wait3A_300 : memref<128x128xf32, #tpu.memory_space<vmem>>)
      %add3A_307 = arith.addi %mul3A_2, %mul3A_176 : i32
      %add3A_308 = arith.constant 3 : i32
      %add3A_309 = arith.addi %add3A_307, %add3A_308 : i32
      %mul3A_310 = arith.constant 128 : i32
      %mul3A_311 = arith.muli %add3A_309, %mul3A_310 : i32
      %dma_start3A_312 = arith.constant 3 : i32
      %dma_start3A_313 = arith.constant 0 : i32
      %dma_start3A_314 = arith.constant 0 : i32
      %dma_start3A_315 = tpu.memref_slice %arg6[%dma_start3A_312, %dma_start3A_313, %dma_start3A_314] : memref<5x128x128xf32, #tpu.memory_space<vmem>> -> memref<1x128x128xf32, #tpu.memory_space<vmem>>
      %dma_start3A_316 = tpu.memref_squeeze %dma_start3A_315 : memref<1x128x128xf32, #tpu.memory_space<vmem>> -> memref<128x128xf32, #tpu.memory_space<vmem>>
      %dma_start3A_317 = arith.constant 0 : i32
      %dma_start3A_318 = tpu.memref_slice %arg4[%mul3A_311, %dma_start3A_317] : memref<819200x128xf32, #tpu.memory_space<hbm>> -> memref<128x128xf32, #tpu.memory_space<hbm>>
      %dma_start3A_319 = arith.constant 0 : i32
      %dma_start3A_320 = tpu.memref_slice %arg4[%mul3A_311, %dma_start3A_319] : memref<819200x128xf32, #tpu.memory_space<hbm>> -> memref<128x128xf32, #tpu.memory_space<hbm>>
      %dma_start3A_321 = arith.constant 0 : i32
      %dma_start3A_322 = arith.constant 0 : i32
      %dma_start3A_323 = tpu.memref_slice %arg6[%dma_start3A_312, %dma_start3A_321, %dma_start3A_322] : memref<5x128x128xf32, #tpu.memory_space<vmem>> -> memref<1x128x128xf32, #tpu.memory_space<vmem>>
      %dma_start3A_324 = tpu.memref_squeeze %dma_start3A_323 : memref<1x128x128xf32, #tpu.memory_space<vmem>> -> memref<128x128xf32, #tpu.memory_space<vmem>>
      tpu.enqueue_dma source(%dma_start3A_324 : memref<128x128xf32, #tpu.memory_space<vmem>>) target(%dma_start3A_320 : memref<128x128xf32, #tpu.memory_space<hbm>>) target_semaphore(%arg9 : memref<!tpu.dma_semaphore, #tpu.memory_space<semaphore_mem>>)
      %add3A_325 = arith.constant 3 : i32
      %add3A_326 = arith.addi %mul3A_176, %add3A_325 : i32
      %add3A_327 = arith.constant 5 : i32
      %add3A_328 = arith.addi %add3A_326, %add3A_327 : i32
      %lt3A_329 = arith.constant 200 : i32
      %lt3A_330 = arith.cmpi slt, %add3A_328, %lt3A_329 : i32
      %convert_element_type3A_331 = arith.extui %lt3A_330 : i1 to i32
      %cond3A_332 = arith.constant 0 : i32
      %cond3A_333 = arith.cmpi ne, %convert_element_type3A_331, %cond3A_332 : i32
      scf.if %cond3A_333 {
        %add3A_374 = arith.addi %mul3A_2, %add3A_328 : i32
        %sub3A_375 = arith.constant 5 : i32
        %sub3A_376 = arith.subi %add3A_374, %sub3A_375 : i32
        %mul3A_377 = arith.constant 128 : i32
        %mul3A_378 = arith.muli %sub3A_376, %mul3A_377 : i32
        %dma_wait3A_379 = arith.constant 3 : i32
        %dma_wait3A_380 = arith.constant 0 : i32
        %dma_wait3A_381 = arith.constant 0 : i32
        %dma_wait3A_382 = tpu.memref_slice %arg6[%dma_wait3A_379, %dma_wait3A_380, %dma_wait3A_381] : memref<5x128x128xf32, #tpu.memory_space<vmem>> -> memref<1x128x128xf32, #tpu.memory_space<vmem>>
        %dma_wait3A_383 = tpu.memref_squeeze %dma_wait3A_382 : memref<1x128x128xf32, #tpu.memory_space<vmem>> -> memref<128x128xf32, #tpu.memory_space<vmem>>
        %dma_wait3A_384 = arith.constant 0 : i32
        %dma_wait3A_385 = tpu.memref_slice %arg4[%mul3A_378, %dma_wait3A_384] : memref<819200x128xf32, #tpu.memory_space<hbm>> -> memref<128x128xf32, #tpu.memory_space<hbm>>
        %dma_wait3A_386 = arith.constant 0 : i32
        %dma_wait3A_387 = tpu.memref_slice %arg4[%mul3A_378, %dma_wait3A_386] : memref<819200x128xf32, #tpu.memory_space<hbm>> -> memref<128x128xf32, #tpu.memory_space<hbm>>
        %dma_wait3A_388 = arith.constant 0 : i32
        %dma_wait3A_389 = arith.constant 0 : i32
        %dma_wait3A_390 = tpu.memref_slice %arg6[%dma_wait3A_379, %dma_wait3A_388, %dma_wait3A_389] : memref<5x128x128xf32, #tpu.memory_space<vmem>> -> memref<1x128x128xf32, #tpu.memory_space<vmem>>
        %dma_wait3A_391 = tpu.memref_squeeze %dma_wait3A_390 : memref<1x128x128xf32, #tpu.memory_space<vmem>> -> memref<128x128xf32, #tpu.memory_space<vmem>>
        tpu.wait_dma2 semaphore(%arg9 : memref<!tpu.dma_semaphore, #tpu.memory_space<semaphore_mem>>) src(%dma_wait3A_391 : memref<128x128xf32, #tpu.memory_space<vmem>>) dst(%dma_wait3A_387 : memref<128x128xf32, #tpu.memory_space<hbm>>)
        %dma_start3A_392 = arith.constant 3 : i32
        %dma_start3A_393 = arith.constant 0 : i32
        %dma_start3A_394 = arith.constant 0 : i32
        %dma_start3A_395 = tpu.memref_slice %arg6[%dma_start3A_392, %dma_start3A_393, %dma_start3A_394] : memref<5x128x128xf32, #tpu.memory_space<vmem>> -> memref<1x128x128xf32, #tpu.memory_space<vmem>>
        %dma_start3A_396 = tpu.memref_squeeze %dma_start3A_395 : memref<1x128x128xf32, #tpu.memory_space<vmem>> -> memref<128x128xf32, #tpu.memory_space<vmem>>
        %dma_start3A_397 = arith.constant 0 : i32
        %dma_start3A_398 = tpu.memref_slice %arg5[%add3A_328, %dma_start3A_397] : memref<200x128xi32, #tpu.memory_space<vmem>> -> memref<1x128xi32, #tpu.memory_space<vmem>>
        %dma_start3A_399 = tpu.memref_squeeze %dma_start3A_398 : memref<1x128xi32, #tpu.memory_space<vmem>> -> memref<128xi32, #tpu.memory_space<vmem>>
        %dma_start3A_400 = arith.constant 0 : i32
        %dma_start3A_401 = arith.constant 0 : i32
        %dma_start3A_402 = tpu.memref_slice %arg7[%dma_start3A_400, %dma_start3A_401] : memref<1024x128xf32, #tpu.memory_space<vmem_shared>> -> memref<1024x128xf32, #tpu.memory_space<vmem_shared>>
        tpu.enqueue_indirect_dma source(%dma_start3A_402 : memref<1024x128xf32, #tpu.memory_space<vmem_shared>>) target(%dma_start3A_396 : memref<128x128xf32, #tpu.memory_space<vmem>>) offsets(%dma_start3A_399 : memref<128xi32, #tpu.memory_space<vmem>>) semaphore(%arg8 : memref<!tpu.dma_semaphore, #tpu.memory_space<semaphore_mem>>)
      } else {
      }
      %add3A_334 = arith.constant 4 : i32
      %add3A_335 = arith.addi %mul3A_176, %add3A_334 : i32
      %dma_wait3A_336 = arith.constant 4 : i32
      %dma_wait3A_337 = arith.constant 0 : i32
      %dma_wait3A_338 = arith.constant 0 : i32
      %dma_wait3A_339 = tpu.memref_slice %arg6[%dma_wait3A_336, %dma_wait3A_337, %dma_wait3A_338] : memref<5x128x128xf32, #tpu.memory_space<vmem>> -> memref<1x128x128xf32, #tpu.memory_space<vmem>>
      %dma_wait3A_340 = tpu.memref_squeeze %dma_wait3A_339 : memref<1x128x128xf32, #tpu.memory_space<vmem>> -> memref<128x128xf32, #tpu.memory_space<vmem>>
      %dma_wait3A_341 = arith.constant 0 : i32
      %dma_wait3A_342 = tpu.memref_slice %arg5[%add3A_335, %dma_wait3A_341] : memref<200x128xi32, #tpu.memory_space<vmem>> -> memref<1x128xi32, #tpu.memory_space<vmem>>
      %dma_wait3A_343 = tpu.memref_squeeze %dma_wait3A_342 : memref<1x128xi32, #tpu.memory_space<vmem>> -> memref<128xi32, #tpu.memory_space<vmem>>
      %dma_wait3A_344 = arith.constant 0 : i32
      %dma_wait3A_345 = arith.constant 0 : i32
      %dma_wait3A_346 = tpu.memref_slice %arg7[%dma_wait3A_344, %dma_wait3A_345] : memref<1024x128xf32, #tpu.memory_space<vmem_shared>> -> memref<1024x128xf32, #tpu.memory_space<vmem_shared>>
      tpu.wait_indirect_dma semaphore(%arg8 : memref<!tpu.dma_semaphore, #tpu.memory_space<semaphore_mem>>) src(%dma_wait3A_346 : memref<1024x128xf32, #tpu.memory_space<vmem_shared>>) dst(%dma_wait3A_340 : memref<128x128xf32, #tpu.memory_space<vmem>>)
      %add3A_347 = arith.addi %mul3A_2, %mul3A_176 : i32
      %add3A_348 = arith.constant 4 : i32
      %add3A_349 = arith.addi %add3A_347, %add3A_348 : i32
      %mul3A_350 = arith.constant 128 : i32
      %mul3A_351 = arith.muli %add3A_349, %mul3A_350 : i32
      %dma_start3A_352 = arith.constant 4 : i32
      %dma_start3A_353 = arith.constant 0 : i32
      %dma_start3A_354 = arith.constant 0 : i32
      %dma_start3A_355 = tpu.memref_slice %arg6[%dma_start3A_352, %dma_start3A_353, %dma_start3A_354] : memref<5x128x128xf32, #tpu.memory_space<vmem>> -> memref<1x128x128xf32, #tpu.memory_space<vmem>>
      %dma_start3A_356 = tpu.memref_squeeze %dma_start3A_355 : memref<1x128x128xf32, #tpu.memory_space<vmem>> -> memref<128x128xf32, #tpu.memory_space<vmem>>
      %dma_start3A_357 = arith.constant 0 : i32
      %dma_start3A_358 = tpu.memref_slice %arg4[%mul3A_351, %dma_start3A_357] : memref<819200x128xf32, #tpu.memory_space<hbm>> -> memref<128x128xf32, #tpu.memory_space<hbm>>
      %dma_start3A_359 = arith.constant 0 : i32
      %dma_start3A_360 = tpu.memref_slice %arg4[%mul3A_351, %dma_start3A_359] : memref<819200x128xf32, #tpu.memory_space<hbm>> -> memref<128x128xf32, #tpu.memory_space<hbm>>
      %dma_start3A_361 = arith.constant 0 : i32
      %dma_start3A_362 = arith.constant 0 : i32
      %dma_start3A_363 = tpu.memref_slice %arg6[%dma_start3A_352, %dma_start3A_361, %dma_start3A_362] : memref<5x128x128xf32, #tpu.memory_space<vmem>> -> memref<1x128x128xf32, #tpu.memory_space<vmem>>
      %dma_start3A_364 = tpu.memref_squeeze %dma_start3A_363 : memref<1x128x128xf32, #tpu.memory_space<vmem>> -> memref<128x128xf32, #tpu.memory_space<vmem>>
      tpu.enqueue_dma source(%dma_start3A_364 : memref<128x128xf32, #tpu.memory_space<vmem>>) target(%dma_start3A_360 : memref<128x128xf32, #tpu.memory_space<hbm>>) target_semaphore(%arg9 : memref<!tpu.dma_semaphore, #tpu.memory_space<semaphore_mem>>)
      %add3A_365 = arith.constant 4 : i32
      %add3A_366 = arith.addi %mul3A_176, %add3A_365 : i32
      %add3A_367 = arith.constant 5 : i32
      %add3A_368 = arith.addi %add3A_366, %add3A_367 : i32
      %lt3A_369 = arith.constant 200 : i32
      %lt3A_370 = arith.cmpi slt, %add3A_368, %lt3A_369 : i32
      %convert_element_type3A_371 = arith.extui %lt3A_370 : i1 to i32
      %cond3A_372 = arith.constant 0 : i32
      %cond3A_373 = arith.cmpi ne, %convert_element_type3A_371, %cond3A_372 : i32
      scf.if %cond3A_373 {
        %add3A_374 = arith.addi %mul3A_2, %add3A_368 : i32
        %sub3A_375 = arith.constant 5 : i32
        %sub3A_376 = arith.subi %add3A_374, %sub3A_375 : i32
        %mul3A_377 = arith.constant 128 : i32
        %mul3A_378 = arith.muli %sub3A_376, %mul3A_377 : i32
        %dma_wait3A_379 = arith.constant 4 : i32
        %dma_wait3A_380 = arith.constant 0 : i32
        %dma_wait3A_381 = arith.constant 0 : i32
        %dma_wait3A_382 = tpu.memref_slice %arg6[%dma_wait3A_379, %dma_wait3A_380, %dma_wait3A_381] : memref<5x128x128xf32, #tpu.memory_space<vmem>> -> memref<1x128x128xf32, #tpu.memory_space<vmem>>
        %dma_wait3A_383 = tpu.memref_squeeze %dma_wait3A_382 : memref<1x128x128xf32, #tpu.memory_space<vmem>> -> memref<128x128xf32, #tpu.memory_space<vmem>>
        %dma_wait3A_384 = arith.constant 0 : i32
        %dma_wait3A_385 = tpu.memref_slice %arg4[%mul3A_378, %dma_wait3A_384] : memref<819200x128xf32, #tpu.memory_space<hbm>> -> memref<128x128xf32, #tpu.memory_space<hbm>>
        %dma_wait3A_386 = arith.constant 0 : i32
        %dma_wait3A_387 = tpu.memref_slice %arg4[%mul3A_378, %dma_wait3A_386] : memref<819200x128xf32, #tpu.memory_space<hbm>> -> memref<128x128xf32, #tpu.memory_space<hbm>>
        %dma_wait3A_388 = arith.constant 0 : i32
        %dma_wait3A_389 = arith.constant 0 : i32
        %dma_wait3A_390 = tpu.memref_slice %arg6[%dma_wait3A_379, %dma_wait3A_388, %dma_wait3A_389] : memref<5x128x128xf32, #tpu.memory_space<vmem>> -> memref<1x128x128xf32, #tpu.memory_space<vmem>>
        %dma_wait3A_391 = tpu.memref_squeeze %dma_wait3A_390 : memref<1x128x128xf32, #tpu.memory_space<vmem>> -> memref<128x128xf32, #tpu.memory_space<vmem>>
        tpu.wait_dma2 semaphore(%arg9 : memref<!tpu.dma_semaphore, #tpu.memory_space<semaphore_mem>>) src(%dma_wait3A_391 : memref<128x128xf32, #tpu.memory_space<vmem>>) dst(%dma_wait3A_387 : memref<128x128xf32, #tpu.memory_space<hbm>>)
        %dma_start3A_392 = arith.constant 4 : i32
        %dma_start3A_393 = arith.constant 0 : i32
        %dma_start3A_394 = arith.constant 0 : i32
        %dma_start3A_395 = tpu.memref_slice %arg6[%dma_start3A_392, %dma_start3A_393, %dma_start3A_394] : memref<5x128x128xf32, #tpu.memory_space<vmem>> -> memref<1x128x128xf32, #tpu.memory_space<vmem>>
        %dma_start3A_396 = tpu.memref_squeeze %dma_start3A_395 : memref<1x128x128xf32, #tpu.memory_space<vmem>> -> memref<128x128xf32, #tpu.memory_space<vmem>>
        %dma_start3A_397 = arith.constant 0 : i32
        %dma_start3A_398 = tpu.memref_slice %arg5[%add3A_368, %dma_start3A_397] : memref<200x128xi32, #tpu.memory_space<vmem>> -> memref<1x128xi32, #tpu.memory_space<vmem>>
        %dma_start3A_399 = tpu.memref_squeeze %dma_start3A_398 : memref<1x128xi32, #tpu.memory_space<vmem>> -> memref<128xi32, #tpu.memory_space<vmem>>
        %dma_start3A_400 = arith.constant 0 : i32
        %dma_start3A_401 = arith.constant 0 : i32
        %dma_start3A_402 = tpu.memref_slice %arg7[%dma_start3A_400, %dma_start3A_401] : memref<1024x128xf32, #tpu.memory_space<vmem_shared>> -> memref<1024x128xf32, #tpu.memory_space<vmem_shared>>
        tpu.enqueue_indirect_dma source(%dma_start3A_402 : memref<1024x128xf32, #tpu.memory_space<vmem_shared>>) target(%dma_start3A_396 : memref<128x128xf32, #tpu.memory_space<vmem>>) offsets(%dma_start3A_399 : memref<128xi32, #tpu.memory_space<vmem>>) semaphore(%arg8 : memref<!tpu.dma_semaphore, #tpu.memory_space<semaphore_mem>>)
      } else {
      }
    }
    %scan3A_70 = arith.constant 40 : i32
    %add3A_71 = arith.constant 200 : i32
    %add3A_72 = arith.addi %mul3A_2, %add3A_71 : i32
    %sub3A = arith.constant 5 : i32
    %sub3A_73 = arith.subi %add3A_72, %sub3A : i32
    %add3A_74 = arith.constant 0 : i32
    %add3A_75 = arith.addi %sub3A_73, %add3A_74 : i32
    %mul3A_76 = arith.constant 128 : i32
    %mul3A_77 = arith.muli %add3A_75, %mul3A_76 : i32
    %dma_wait3A = arith.constant 0 : i32
    %dma_wait3A_78 = arith.constant 0 : i32
    %dma_wait3A_79 = arith.constant 0 : i32
    %dma_wait3A_80 = tpu.memref_slice %arg6[%dma_wait3A, %dma_wait3A_78, %dma_wait3A_79] : memref<5x128x128xf32, #tpu.memory_space<vmem>> -> memref<1x128x128xf32, #tpu.memory_space<vmem>>
    %dma_wait3A_81 = tpu.memref_squeeze %dma_wait3A_80 : memref<1x128x128xf32, #tpu.memory_space<vmem>> -> memref<128x128xf32, #tpu.memory_space<vmem>>
    %dma_wait3A_82 = arith.constant 0 : i32
    %dma_wait3A_83 = tpu.memref_slice %arg4[%mul3A_77, %dma_wait3A_82] : memref<819200x128xf32, #tpu.memory_space<hbm>> -> memref<128x128xf32, #tpu.memory_space<hbm>>
    %dma_wait3A_84 = arith.constant 0 : i32
    %dma_wait3A_85 = tpu.memref_slice %arg4[%mul3A_77, %dma_wait3A_84] : memref<819200x128xf32, #tpu.memory_space<hbm>> -> memref<128x128xf32, #tpu.memory_space<hbm>>
    %dma_wait3A_86 = arith.constant 0 : i32
    %dma_wait3A_87 = arith.constant 0 : i32
    %dma_wait3A_88 = tpu.memref_slice %arg6[%dma_wait3A, %dma_wait3A_86, %dma_wait3A_87] : memref<5x128x128xf32, #tpu.memory_space<vmem>> -> memref<1x128x128xf32, #tpu.memory_space<vmem>>
    %dma_wait3A_89 = tpu.memref_squeeze %dma_wait3A_88 : memref<1x128x128xf32, #tpu.memory_space<vmem>> -> memref<128x128xf32, #tpu.memory_space<vmem>>
    tpu.wait_dma2 semaphore(%arg9 : memref<!tpu.dma_semaphore, #tpu.memory_space<semaphore_mem>>) src(%dma_wait3A_89 : memref<128x128xf32, #tpu.memory_space<vmem>>) dst(%dma_wait3A_85 : memref<128x128xf32, #tpu.memory_space<hbm>>)
    %add3A_90 = arith.constant 200 : i32
    %add3A_91 = arith.addi %mul3A_2, %add3A_90 : i32
    %sub3A_92 = arith.constant 5 : i32
    %sub3A_93 = arith.subi %add3A_91, %sub3A_92 : i32
    %add3A_94 = arith.constant 1 : i32
    %add3A_95 = arith.addi %sub3A_93, %add3A_94 : i32
    %mul3A_96 = arith.constant 128 : i32
    %mul3A_97 = arith.muli %add3A_95, %mul3A_96 : i32
    %dma_wait3A_98 = arith.constant 1 : i32
    %dma_wait3A_99 = arith.constant 0 : i32
    %dma_wait3A_100 = arith.constant 0 : i32
    %dma_wait3A_101 = tpu.memref_slice %arg6[%dma_wait3A_98, %dma_wait3A_99, %dma_wait3A_100] : memref<5x128x128xf32, #tpu.memory_space<vmem>> -> memref<1x128x128xf32, #tpu.memory_space<vmem>>
    %dma_wait3A_102 = tpu.memref_squeeze %dma_wait3A_101 : memref<1x128x128xf32, #tpu.memory_space<vmem>> -> memref<128x128xf32, #tpu.memory_space<vmem>>
    %dma_wait3A_103 = arith.constant 0 : i32
    %dma_wait3A_104 = tpu.memref_slice %arg4[%mul3A_97, %dma_wait3A_103] : memref<819200x128xf32, #tpu.memory_space<hbm>> -> memref<128x128xf32, #tpu.memory_space<hbm>>
    %dma_wait3A_105 = arith.constant 0 : i32
    %dma_wait3A_106 = tpu.memref_slice %arg4[%mul3A_97, %dma_wait3A_105] : memref<819200x128xf32, #tpu.memory_space<hbm>> -> memref<128x128xf32, #tpu.memory_space<hbm>>
    %dma_wait3A_107 = arith.constant 0 : i32
    %dma_wait3A_108 = arith.constant 0 : i32
    %dma_wait3A_109 = tpu.memref_slice %arg6[%dma_wait3A_98, %dma_wait3A_107, %dma_wait3A_108] : memref<5x128x128xf32, #tpu.memory_space<vmem>> -> memref<1x128x128xf32, #tpu.memory_space<vmem>>
    %dma_wait3A_110 = tpu.memref_squeeze %dma_wait3A_109 : memref<1x128x128xf32, #tpu.memory_space<vmem>> -> memref<128x128xf32, #tpu.memory_space<vmem>>
    tpu.wait_dma2 semaphore(%arg9 : memref<!tpu.dma_semaphore, #tpu.memory_space<semaphore_mem>>) src(%dma_wait3A_110 : memref<128x128xf32, #tpu.memory_space<vmem>>) dst(%dma_wait3A_106 : memref<128x128xf32, #tpu.memory_space<hbm>>)
    %add3A_111 = arith.constant 200 : i32
    %add3A_112 = arith.addi %mul3A_2, %add3A_111 : i32
    %sub3A_113 = arith.constant 5 : i32
    %sub3A_114 = arith.subi %add3A_112, %sub3A_113 : i32
    %add3A_115 = arith.constant 2 : i32
    %add3A_116 = arith.addi %sub3A_114, %add3A_115 : i32
    %mul3A_117 = arith.constant 128 : i32
    %mul3A_118 = arith.muli %add3A_116, %mul3A_117 : i32
    %dma_wait3A_119 = arith.constant 2 : i32
    %dma_wait3A_120 = arith.constant 0 : i32
    %dma_wait3A_121 = arith.constant 0 : i32
    %dma_wait3A_122 = tpu.memref_slice %arg6[%dma_wait3A_119, %dma_wait3A_120, %dma_wait3A_121] : memref<5x128x128xf32, #tpu.memory_space<vmem>> -> memref<1x128x128xf32, #tpu.memory_space<vmem>>
    %dma_wait3A_123 = tpu.memref_squeeze %dma_wait3A_122 : memref<1x128x128xf32, #tpu.memory_space<vmem>> -> memref<128x128xf32, #tpu.memory_space<vmem>>
    %dma_wait3A_124 = arith.constant 0 : i32
    %dma_wait3A_125 = tpu.memref_slice %arg4[%mul3A_118, %dma_wait3A_124] : memref<819200x128xf32, #tpu.memory_space<hbm>> -> memref<128x128xf32, #tpu.memory_space<hbm>>
    %dma_wait3A_126 = arith.constant 0 : i32
    %dma_wait3A_127 = tpu.memref_slice %arg4[%mul3A_118, %dma_wait3A_126] : memref<819200x128xf32, #tpu.memory_space<hbm>> -> memref<128x128xf32, #tpu.memory_space<hbm>>
    %dma_wait3A_128 = arith.constant 0 : i32
    %dma_wait3A_129 = arith.constant 0 : i32
    %dma_wait3A_130 = tpu.memref_slice %arg6[%dma_wait3A_119, %dma_wait3A_128, %dma_wait3A_129] : memref<5x128x128xf32, #tpu.memory_space<vmem>> -> memref<1x128x128xf32, #tpu.memory_space<vmem>>
    %dma_wait3A_131 = tpu.memref_squeeze %dma_wait3A_130 : memref<1x128x128xf32, #tpu.memory_space<vmem>> -> memref<128x128xf32, #tpu.memory_space<vmem>>
    tpu.wait_dma2 semaphore(%arg9 : memref<!tpu.dma_semaphore, #tpu.memory_space<semaphore_mem>>) src(%dma_wait3A_131 : memref<128x128xf32, #tpu.memory_space<vmem>>) dst(%dma_wait3A_127 : memref<128x128xf32, #tpu.memory_space<hbm>>)
    %add3A_132 = arith.constant 200 : i32
    %add3A_133 = arith.addi %mul3A_2, %add3A_132 : i32
    %sub3A_134 = arith.constant 5 : i32
    %sub3A_135 = arith.subi %add3A_133, %sub3A_134 : i32
    %add3A_136 = arith.constant 3 : i32
    %add3A_137 = arith.addi %sub3A_135, %add3A_136 : i32
    %mul3A_138 = arith.constant 128 : i32
    %mul3A_139 = arith.muli %add3A_137, %mul3A_138 : i32
    %dma_wait3A_140 = arith.constant 3 : i32
    %dma_wait3A_141 = arith.constant 0 : i32
    %dma_wait3A_142 = arith.constant 0 : i32
    %dma_wait3A_143 = tpu.memref_slice %arg6[%dma_wait3A_140, %dma_wait3A_141, %dma_wait3A_142] : memref<5x128x128xf32, #tpu.memory_space<vmem>> -> memref<1x128x128xf32, #tpu.memory_space<vmem>>
    %dma_wait3A_144 = tpu.memref_squeeze %dma_wait3A_143 : memref<1x128x128xf32, #tpu.memory_space<vmem>> -> memref<128x128xf32, #tpu.memory_space<vmem>>
    %dma_wait3A_145 = arith.constant 0 : i32
    %dma_wait3A_146 = tpu.memref_slice %arg4[%mul3A_139, %dma_wait3A_145] : memref<819200x128xf32, #tpu.memory_space<hbm>> -> memref<128x128xf32, #tpu.memory_space<hbm>>
    %dma_wait3A_147 = arith.constant 0 : i32
    %dma_wait3A_148 = tpu.memref_slice %arg4[%mul3A_139, %dma_wait3A_147] : memref<819200x128xf32, #tpu.memory_space<hbm>> -> memref<128x128xf32, #tpu.memory_space<hbm>>
    %dma_wait3A_149 = arith.constant 0 : i32
    %dma_wait3A_150 = arith.constant 0 : i32
    %dma_wait3A_151 = tpu.memref_slice %arg6[%dma_wait3A_140, %dma_wait3A_149, %dma_wait3A_150] : memref<5x128x128xf32, #tpu.memory_space<vmem>> -> memref<1x128x128xf32, #tpu.memory_space<vmem>>
    %dma_wait3A_152 = tpu.memref_squeeze %dma_wait3A_151 : memref<1x128x128xf32, #tpu.memory_space<vmem>> -> memref<128x128xf32, #tpu.memory_space<vmem>>
    tpu.wait_dma2 semaphore(%arg9 : memref<!tpu.dma_semaphore, #tpu.memory_space<semaphore_mem>>) src(%dma_wait3A_152 : memref<128x128xf32, #tpu.memory_space<vmem>>) dst(%dma_wait3A_148 : memref<128x128xf32, #tpu.memory_space<hbm>>)
    %add3A_153 = arith.constant 200 : i32
    %add3A_154 = arith.addi %mul3A_2, %add3A_153 : i32
    %sub3A_155 = arith.constant 5 : i32
    %sub3A_156 = arith.subi %add3A_154, %sub3A_155 : i32
    %add3A_157 = arith.constant 4 : i32
    %add3A_158 = arith.addi %sub3A_156, %add3A_157 : i32
    %mul3A_159 = arith.constant 128 : i32
    %mul3A_160 = arith.muli %add3A_158, %mul3A_159 : i32
    %dma_wait3A_161 = arith.constant 4 : i32
    %dma_wait3A_162 = arith.constant 0 : i32
    %dma_wait3A_163 = arith.constant 0 : i32
    %dma_wait3A_164 = tpu.memref_slice %arg6[%dma_wait3A_161, %dma_wait3A_162, %dma_wait3A_163] : memref<5x128x128xf32, #tpu.memory_space<vmem>> -> memref<1x128x128xf32, #tpu.memory_space<vmem>>
    %dma_wait3A_165 = tpu.memref_squeeze %dma_wait3A_164 : memref<1x128x128xf32, #tpu.memory_space<vmem>> -> memref<128x128xf32, #tpu.memory_space<vmem>>
    %dma_wait3A_166 = arith.constant 0 : i32
    %dma_wait3A_167 = tpu.memref_slice %arg4[%mul3A_160, %dma_wait3A_166] : memref<819200x128xf32, #tpu.memory_space<hbm>> -> memref<128x128xf32, #tpu.memory_space<hbm>>
    %dma_wait3A_168 = arith.constant 0 : i32
    %dma_wait3A_169 = tpu.memref_slice %arg4[%mul3A_160, %dma_wait3A_168] : memref<819200x128xf32, #tpu.memory_space<hbm>> -> memref<128x128xf32, #tpu.memory_space<hbm>>
    %dma_wait3A_170 = arith.constant 0 : i32
    %dma_wait3A_171 = arith.constant 0 : i32
    %dma_wait3A_172 = tpu.memref_slice %arg6[%dma_wait3A_161, %dma_wait3A_170, %dma_wait3A_171] : memref<5x128x128xf32, #tpu.memory_space<vmem>> -> memref<1x128x128xf32, #tpu.memory_space<vmem>>
    %dma_wait3A_173 = tpu.memref_squeeze %dma_wait3A_172 : memref<1x128x128xf32, #tpu.memory_space<vmem>> -> memref<128x128xf32, #tpu.memory_space<vmem>>
    tpu.wait_dma2 semaphore(%arg9 : memref<!tpu.dma_semaphore, #tpu.memory_space<semaphore_mem>>) src(%dma_wait3A_173 : memref<128x128xf32, #tpu.memory_space<vmem>>) dst(%dma_wait3A_169 : memref<128x128xf32, #tpu.memory_space<hbm>>)
    return
  }
}

module attributes {stable_mosaic.version = 14 : i64} {
  func.func @_fuse_body(%arg0: memref<1024x16xf32, #tpu.memory_space<vmem>>, %arg1: memref<1024x8xf32, #tpu.memory_space<vmem>>, %arg2: memref<1024x128xf32, #tpu.memory_space<vmem>>) attributes {dimension_semantics = [], scalar_prefetch = 0 : i64, scratch_operands = 0 : i64, tpu.core_type = #tpu.core_type<tc>} {
    %get3A = arith.constant 0 : index
    %get3A_0 = arith.constant 0 : index
    %get3A_1 = vector.load %arg0[%get3A, %get3A_0] : memref<1024x16xf32, #tpu.memory_space<vmem>>, vector<1024x16xf32>
    %get3A_2 = arith.constant 0 : index
    %get3A_3 = arith.constant 0 : index
    %get3A_4 = vector.load %arg1[%get3A_2, %get3A_3] : memref<1024x8xf32, #tpu.memory_space<vmem>>, vector<1024x8xf32>
    %iota3A = tpu.iota {dimensions = array<i32: 1>} : vector<16x128xi32>
    %iota3A_5 = tpu.iota {dimensions = array<i32: 0>} : vector<16x128xi32>
    %jit3A = arith.constant 8 : i32
    %div3A = vector.broadcast %jit3A : i32 to vector<16x128xi32>
    %div3A_6 = arith.divsi %iota3A, %div3A : vector<16x128xi32>
    %sign3A = arith.constant 0 : i32
    %sign3A_7 = vector.broadcast %sign3A : i32 to vector<16x128xi32>
    %sign3A_8 = arith.cmpi sgt, %iota3A, %sign3A_7 : vector<16x128xi32>
    %sign3A_9 = arith.extui %sign3A_8 : vector<16x128xi1> to vector<16x128xi32>
    %sign3A_10 = arith.constant 0 : i32
    %sign3A_11 = vector.broadcast %sign3A_10 : i32 to vector<16x128xi32>
    %sign3A_12 = arith.cmpi slt, %iota3A, %sign3A_11 : vector<16x128xi32>
    %sign3A_13 = arith.extui %sign3A_12 : vector<16x128xi1> to vector<16x128xi32>
    %sign3A_14 = arith.subi %sign3A_9, %sign3A_13 : vector<16x128xi32>
    %sign3A_15 = arith.constant 0 : i32
    %sign3A_16 = arith.cmpi sgt, %jit3A, %sign3A_15 : i32
    %sign3A_17 = arith.extui %sign3A_16 : i1 to i32
    %sign3A_18 = arith.constant 0 : i32
    %sign3A_19 = arith.cmpi slt, %jit3A, %sign3A_18 : i32
    %sign3A_20 = arith.extui %sign3A_19 : i1 to i32
    %sign3A_21 = arith.subi %sign3A_17, %sign3A_20 : i32
    %ne3A = vector.broadcast %sign3A_21 : i32 to vector<16x128xi32>
    %ne3A_22 = arith.cmpi ne, %sign3A_14, %ne3A : vector<16x128xi32>
    %rem3A = vector.broadcast %jit3A : i32 to vector<16x128xi32>
    %rem3A_23 = arith.remsi %iota3A, %rem3A : vector<16x128xi32>
    %ne3A_24 = arith.constant 0 : i32
    %ne3A_25 = vector.broadcast %ne3A_24 : i32 to vector<16x128xi32>
    %ne3A_26 = arith.cmpi ne, %rem3A_23, %ne3A_25 : vector<16x128xi32>
    %and3A = arith.andi %ne3A_22, %ne3A_26 : vector<16x128xi1>
    %sub3A = arith.constant 1 : i32
    %sub3A_27 = vector.broadcast %sub3A : i32 to vector<16x128xi32>
    %sub3A_28 = arith.subi %div3A_6, %sub3A_27 : vector<16x128xi32>
    %select_n3A = arith.select %and3A, %sub3A_28, %div3A_6 : vector<16x128xi1>, vector<16x128xi32>
    %eq3A = arith.cmpi eq, %select_n3A, %iota3A_5 : vector<16x128xi32>
    %jit3A_29 = arith.constant 1.000000e+00 : f32
    %jit3A_30 = arith.constant 0.000000e+00 : f32
    %broadcast_in_dim3A = vector.broadcast %jit3A_29 : f32 to vector<16x128xf32>
    %broadcast_in_dim3A_31 = vector.broadcast %jit3A_30 : f32 to vector<16x128xf32>
    %select_n3A_32 = arith.select %eq3A, %broadcast_in_dim3A, %broadcast_in_dim3A_31 : vector<16x128xi1>, vector<16x128xf32>
    %iota3A_33 = tpu.iota {dimensions = array<i32: 1>} : vector<8x128xi32>
    %iota3A_34 = tpu.iota {dimensions = array<i32: 0>} : vector<8x128xi32>
    %jit3A_35 = arith.constant 8 : i32
    %eq3A_36 = arith.constant 0 : i32
    %eq3A_37 = arith.cmpi eq, %jit3A_35, %eq3A_36 : i32
    %jit3A_38 = arith.constant 1 : i32
    %select_n3A_39 = arith.select %eq3A_37, %jit3A_38, %jit3A_35 : i32
    %rem3A_40 = vector.broadcast %select_n3A_39 : i32 to vector<8x128xi32>
    %rem3A_41 = arith.remsi %iota3A_33, %rem3A_40 : vector<8x128xi32>
    %ne3A_42 = arith.constant 0 : i32
    %ne3A_43 = vector.broadcast %ne3A_42 : i32 to vector<8x128xi32>
    %ne3A_44 = arith.cmpi ne, %rem3A_41, %ne3A_43 : vector<8x128xi32>
    %lt3A = arith.constant 0 : i32
    %lt3A_45 = vector.broadcast %lt3A : i32 to vector<8x128xi32>
    %lt3A_46 = arith.cmpi slt, %rem3A_41, %lt3A_45 : vector<8x128xi32>
    %lt3A_47 = arith.constant 0 : i32
    %lt3A_48 = arith.cmpi slt, %select_n3A_39, %lt3A_47 : i32
    %ne3A_49 = vector.broadcast %lt3A_48 : i1 to vector<8x128xi1>
    %ne3A_50 = vector.broadcast %ne3A_49 : vector<8x128xi1> to vector<8x128xi1>
    %ne3A_51 = arith.xori %lt3A_46, %ne3A_50 : vector<8x128xi1>
    %and3A_52 = arith.andi %ne3A_51, %ne3A_44 : vector<8x128xi1>
    %add3A = vector.broadcast %select_n3A_39 : i32 to vector<8x128xi32>
    %add3A_53 = arith.addi %rem3A_41, %add3A : vector<8x128xi32>
    %select_n3A_54 = arith.select %and3A_52, %add3A_53, %rem3A_41 : vector<8x128xi1>, vector<8x128xi32>
    %eq3A_55 = arith.cmpi eq, %select_n3A_54, %iota3A_34 : vector<8x128xi32>
    %jit3A_56 = arith.constant 1.000000e+00 : f32
    %jit3A_57 = arith.constant 0.000000e+00 : f32
    %broadcast_in_dim3A_58 = vector.broadcast %jit3A_56 : f32 to vector<8x128xf32>
    %broadcast_in_dim3A_59 = vector.broadcast %jit3A_57 : f32 to vector<8x128xf32>
    %select_n3A_60 = arith.select %eq3A_55, %broadcast_in_dim3A_58, %broadcast_in_dim3A_59 : vector<8x128xi1>, vector<8x128xf32>
    %dot_general3A = arith.constant dense<0.000000e+00> : vector<1024x128xf32>
    %dot_general3A_61 = tpu.matmul %get3A_1, %select_n3A_32, %dot_general3A {dimension_numbers = #tpu.dot_dimension_numbers<[1], [0], [0], [1], [0, 0, 1, 1], [], []>, precision = #tpu.contract_precision<fp32>, transpose_lhs_hint = false} : vector<1024x16xf32>, vector<16x128xf32>, vector<1024x128xf32> -> vector<1024x128xf32>
    %dot_general3A_62 = arith.constant dense<0.000000e+00> : vector<1024x128xf32>
    %dot_general3A_63 = tpu.matmul %get3A_4, %select_n3A_60, %dot_general3A_62 {dimension_numbers = #tpu.dot_dimension_numbers<[1], [0], [0], [1], [0, 0, 1, 1], [], []>, precision = #tpu.contract_precision<fp32>, transpose_lhs_hint = false} : vector<1024x8xf32>, vector<8x128xf32>, vector<1024x128xf32> -> vector<1024x128xf32>
    %mul3A = arith.mulf %dot_general3A_61, %dot_general3A_63 : vector<1024x128xf32>
    %swap3A = arith.constant 0 : index
    %swap3A_64 = arith.constant 0 : index
    %swap3A_65 = vector.load %arg2[%swap3A, %swap3A_64] : memref<1024x128xf32, #tpu.memory_space<vmem>>, vector<1024x128xf32>
    tpu.vector_store %arg2[%swap3A, %swap3A_64], %mul3A {strides = array<i32>} : memref<1024x128xf32, #tpu.memory_space<vmem>>, vector<1024x128xf32>,
    return
  }
}

</mosaic_0001>

<sc_bundles>
// kernel: kernel.4.cloned.1.call-start
scs
__scs_entry_jumppad:
0x0: {  	(pc) =	sbr.rel $0x88, $3  }
0x1: {  	(tag) =	ssettag $0x0;
	lr =	simm.s32 $0x1  }
0x2: {  	[smem:$0x3F9E] =	sst lr;
	_ =	strace $0xD0000000  }
0x3: {  	_ = 	snop  }
0x4: {  	_ = 	snop  }
0x5: {  	_ = 	snop  }
0x6: {  	_ = 	snop  }
0x7: {  	_ = 	snop  }
__scs_overlays_trampoline_lowered:
0x8: {  	[smem:$0x3FAD] =	sst s0  }
0x9: {  	[smem:$0x3FAE] =	sst s1  }
0xa: {  	[smem:$0x3FAF] =	sst s2  }
0xb: {  	[smem:$0x3FB0] =	sst s3  }
0xc: {  	[smem:$0x3FB1] =	sst s4  }
0xd: {  	[smem:$0x3FB2] =	sst s5  }
0xe: {  	[smem:$0x3FB3] =	sst s6  }
0xf: {  	[smem:$0x3FB4] =	sst s7  }
0x10: {  	[smem:$0x3FB5] =	sst s8  }
0x11: {  	[smem:$0x3FB6] =	sst s9;
	s0 =	simm.s32 @!p0 $0x0  }
0x12: {  	s1 =	sld [smem:$0x3F9C];
	s0 =	simm.s32 @p0 $0x1  }
0x13: {  	[smem:$0x3FB7] =	sst s0;
	s0 =	simm.s32 @!p1 $0x0  }
0x14: {  	s2 =	sld [smem:$0x3F9B];
	s0 =	simm.s32 @p1 $0x1  }
0x15: {  	[smem:$0x3FB8] =	sst s0;
	s0 =	simm.s32 @!p2 $0x0  }
0x16: {  	s3 =	sld [smem:$0x3FDB];
	s0 =	simm.s32 @p2 $0x1  }
0x17: {  	s4 =	simm.s32 $0x1BF5;
	[smem:$0x3FBA] =	sst s0  }
0x18: {  	s0 =	sld [smem:$0x3F9D];
	_ =	swait.ge [sflag:s4], $0x0  }
0x19: {  	s7 =	sld [smem:$0x3F9E]  }
0x1a: {  	s8 =	sadd.s32 $0xFFFFE003, lr  }
0x1b: {  	s9 =	sadd.s32 $0xFFFFFEF7, lr;
	s5 =	simm.s32 $0xFFFFFFFF;
	p2 =	slt.u32 s8, $0xFFFFF086  }
0x1c: {  	p1 =	slt.u32 s9, $0xF7A;
	s5 =	simm.s32 @!p2 $0x0  }
0x1d: {  	s5 =	simm.s32 @p1 $0x1;
	p0 =	seq.s32 s7, s2  }
0x1e: {  	s7 =	smul.u32 @!p0 $0xF7A, s2;
	p2 =	seq.s32 @!p0 s5, $0x0  }
0x1f: {  	s9 =	smul.u32 $0xF7A, s1;
	s8 =	simm.s32 @!p0 $0x1BF5;
	p2 =	por !p2, p0  }
0x20: {  	[sflag:s8] =	ssyncset.s32 @!p0 $0xFFFFF086;
	s6 =	sadd.s32 @!p0 s3, s7;
	s7 =	simm.s32 @!p0 $0x108  }
0x21: {  	s3 =	sadd.s32 s3, s9;
	s6 =	sadd.s32 @!p0 $0x88, s6;
	s7 =	simm.s32 @p2 $0x1082  }
0x22: {  	[simem:s7], [sflag:s8] =	dma.local @!p0 [hbm:s6], $0xF7A  }
0x23: {  	s9 =	sor.u32 $0xD0000000, s2;
	s6 =	simm.s32 $0x108;
	_ =	swait.ge @!p0 [sflag:s8], $0x0  }
0x24: {  	s3 =	sadd.s32 $0x88, s3;
	s6 =	simm.s32 @!p1 $0x1082;
	[sflag:s4] =	ssyncset.s32 $0xFFFFF086  }
0x25: {  	[simem:s6], [sflag:s4] =	dma.local [hbm:s3], $0xF7A  }
0x26: {  	[smem:$0x3F9E] =	sst s1;
	(tag) =	ssettag s2;
	_ =	strace s9  }
0x27: {  	s1 =	sld [smem:$0x3FAE]  }
0x28: {  	s2 =	sld [smem:$0x3FAF]  }
0x29: {  	s4 =	sld [smem:$0x3FB1]  }
0x2a: {  	p0 =	seq.s32 s5, $0x0;
	s5 =	sld [smem:$0x3FB2]  }
0x2b: {  	s6 =	sld [smem:$0x3FB3]  }
0x2c: {  	s7 =	sld [smem:$0x3FB4]  }
0x2d: {  	s3 =	simm.s32 $0x108;
	s8 =	sld [smem:$0x3FB5]  }
0x2e: {  	s3 =	simm.s32 @!p0 $0x1082;
	s9 =	sld [smem:$0x3FB6]  }
0x2f: {  	lr =	sadd.s32 s0, s3;
	s0 =	sld [smem:$0x3FAD]  }
0x30: {  	s3 =	sld [smem:$0x3FB0]  }
0x31: {  	[smem:$0x3FB9] =	sst s10  }
0x32: {  	s10 =	sld [smem:$0x3FB7];
	_ =	sdelay $0x3  }
0x33: {  	p0 =	seq.s32 s10, $0x1;
	s10 =	sld [smem:$0x3FB9];
	_ =	sdelay $0x3  }
0x34: {  	[smem:$0x3FB9] =	sst s10  }
0x35: {  	s10 =	sld [smem:$0x3FB8];
	_ =	sdelay $0x3  }
0x36: {  	p1 =	seq.s32 s10, $0x1;
	s10 =	sld [smem:$0x3FB9];
	_ =	sdelay $0x3  }
0x37: {  	[smem:$0x3FB9] =	sst s10  }
0x38: {  	s10 =	sld [smem:$0x3FBA]  }
0x39: {  	_ = 	snop;
	(pc) =	sbr.ind lr, $3  }
0x3a: {  	_ = 	snop  }
0x3b: {  	_ = 	snop  }
0x3c: {  	p2 =	seq.s32 s10, $0x1;
	s10 =	sld [smem:$0x3FB9]  }
0x3d: {  	_ =	shalt  }
0x3e: {  	_ =	shalt  }
0x3f: {  	_ =	shalt  }
0x40: {  	_ =	shalt  }
0x41: {  	_ =	shalt  }
0x42: {  	_ =	shalt  }
0x43: {  	_ =	shalt  }
0x44: {  	_ =	shalt  }
0x45: {  	_ =	shalt  }
0x46: {  	_ =	shalt  }
0x47: {  	_ =	shalt  }
0x48: {  	_ =	shalt  }
0x49: {  	_ =	shalt  }
0x4a: {  	_ =	shalt  }
0x4b: {  	_ =	shalt  }
0x4c: {  	_ =	shalt  }
0x4d: {  	_ =	shalt  }
0x4e: {  	_ =	shalt  }
0x4f: {  	_ =	shalt  }
0x50: {  	_ =	shalt  }
0x51: {  	_ =	shalt  }
0x52: {  	_ =	shalt  }
0x53: {  	_ =	shalt  }
0x54: {  	_ =	shalt  }
0x55: {  	_ =	shalt  }
0x56: {  	_ =	shalt  }
0x57: {  	_ =	shalt  }
0x58: {  	_ =	shalt  }
0x59: {  	_ =	shalt  }
0x5a: {  	_ =	shalt  }
0x5b: {  	_ =	shalt  }
0x5c: {  	_ =	shalt  }
0x5d: {  	_ =	shalt  }
0x5e: {  	_ =	shalt  }
0x5f: {  	_ =	shalt  }
0x60: {  	_ =	shalt  }
0x61: {  	_ =	shalt  }
0x62: {  	_ =	shalt  }
0x63: {  	_ =	shalt  }
0x64: {  	_ =	shalt  }
0x65: {  	_ =	shalt  }
0x66: {  	_ =	shalt  }
0x67: {  	_ =	shalt  }
0x68: {  	_ =	shalt  }
0x69: {  	_ =	shalt  }
0x6a: {  	_ =	shalt  }
0x6b: {  	_ =	shalt  }
0x6c: {  	_ =	shalt  }
0x6d: {  	_ =	shalt  }
0x6e: {  	_ =	shalt  }
0x6f: {  	_ =	shalt  }
0x70: {  	_ =	shalt  }
0x71: {  	_ =	shalt  }
0x72: {  	_ =	shalt  }
0x73: {  	_ =	shalt  }
0x74: {  	_ =	shalt  }
0x75: {  	_ =	shalt  }
0x76: {  	_ =	shalt  }
0x77: {  	_ =	shalt  }
0x78: {  	_ =	shalt  }
0x79: {  	_ =	shalt  }
0x7a: {  	_ =	shalt  }
0x7b: {  	_ =	shalt  }
0x7c: {  	_ =	shalt  }
0x7d: {  	_ =	shalt  }
0x7e: {  	_ =	shalt  }
0x7f: {  	_ =	shalt  }
0x80: {  	_ =	shalt  }
0x81: {  	_ =	shalt  }
0x82: {  	_ =	shalt  }
0x83: {  	_ =	shalt  }
0x84: {  	_ =	shalt  }
0x85: {  	_ =	shalt  }
0x86: {  	_ =	shalt  }
0x87: {  	_ =	shalt  }
.Lfunc_end0:
.L_simem_size_0:
called_computation_lowered:
.L_overlay_start_0:
0x88: {  	s2 =	sld [smem:$0x3FD9]  }
0x89: {  	s3 =	sld [smem:$0x3FFE];
	_ =	sdelay $0x1  }
0x8a: {  	s1 =	srdreg.scid  }
0x8b: {  	s0 =	sand.u32 $0x1, s1  }
0x8c: {  	s17 =	sshll.u32 s0, $0xA;
	s2 =	sadd.s32 s3, s2  }
0x8d: {  	s2 =	sadd.s32 s2, s17  }
0x8e: {  	[smem:$0x3FC5] =	sst s2  }
0x8f: {  	_ = 	snop  }
0x90: {  	s2 =	sld [smem:$0x3FD0];
	(tm) =	ssettm $0x1  }
0x91: {  	s18 =	sld [smem:$0x3FFB];
	_ =	sdelay $0x3  }
0x92: {  	_ =	strace s18  }
0x93: {  	s3 =	sld [smem:$0x3FFC];
	_ =	sdelay $0x3  }
0x94: {  	_ =	strace s3  }
0x95: {  	s3 =	sld [smem:$0x3FFD];
	_ =	sdelay $0x3  }
0x96: {  	_ =	strace s3  }
0x97: {  	_ =	strace $0x8FFFFFFF  }
0x98: {  	s19 =	sld [smem:$0x3FDB];
	_ =	sdelay $0x1  }
0x99: {  	s4 =	simm.s32 $_scs_section_size  }
0x9a: {  	s5 =	simm.s32 $_size__tile_overlayer_lowered;
	s6 =	simm.s32 $_tile_overlayer_lowered  }
0x9b: {  	s22 =	simm.s32 $0x1BFF;
	s21 =	sshll.u32 s6, $0x1;
	s3 =	sadd.s32 s4, s19  }
0x9c: {  	s7 =	simm.s32 $0x0;
	s20 =	sshll.u32 s5, $0x1;
	s5 =	sadd.s32 s21, s3  }
0x9d: {  	[timem:s7], [sflag:s22] =	dma.local [hbm:s5], s20  }
0x9e: {  	_ =	swait.ge [sflag:s22], s20  }
0x9f: {  	s4 =	ssub.s32 $0x0, s20;
	[sflag:s22] =	ssyncset.done $0x0  }
0xa0: {  	[sflag:s22] =	ssyncadd.s32 s4;
	_ =	sdelay $0x1  }
0xa1: {  	s23 =	simm.s32 $0x1B8B  }
0xa2: {  	_ =	swait.ge [sflag:s23], $0x1  }
0xa3: {  	[sflag:s23] =	ssyncset.done $0x0  }
0xa4: {  	s25 =	simm.s32 $0x1B8E;
	s24 =	sld [smem:$0x3FFE];
	[sflag:s23] =	ssyncadd.s32 $0xFFFFFFFF  }
0xa5: {  	s26 =	simm.s32 $execute0_lowered;
	[smem:$0x3FD2] =	sst s25  }
0xa6: {  	s5 =	sshll.u32 s26, $0x1;
	_ =	strace $0x80000046;
	[dreg:$0x1] =	wrdreg $0xFFFFFFFF  }
0xa7: {  	s28 =	simm.s32 $_size_execute0_lowered;
	s3 =	sadd.s32 s3, s5;
	[dreg:$0x0] =	wrdreg $0x0  }
0xa8: {  	s5 =	sshll.u32 s28, $0x1;
	[dreg:$0x2] =	wrdreg s3  }
0xa9: {  	[dreg:$0x3] =	wrdreg s5  }
0xaa: {  	[dreg:$0x4] =	wrdreg $0xC0  }
0xab: {  	_ =	task [dreg:s7], $0x5FFFF  }
0xac: {  	[dreg:$0x1] =	wrdreg $0xFFFFFFFF  }
0xad: {  	[dreg:$0x0] =	wrdreg $0x60  }
0xae: {  	[dreg:$0x2] =	wrdreg s24  }
0xaf: {  	[dreg:$0x3] =	wrdreg s2  }
0xb0: {  	[dreg:$0x4] =	wrdreg $0x1A4000  }
0xb1: {  	[dreg:$0x5] =	wrdreg $0x9  }
0xb2: {  	_ =	task.clear_ibuf [dreg:s7], $0x6FFFF;
	_ =	strace $0x90000046  }
0xb3: {  	s29 =	simm.s32 $0x9;
	_ =	strace $0x80000048  }
0xb4: {  	_ =	swait.ge [sflag:s29], $0x1  }
0xb5: {  	[sflag:s29] =	ssyncadd.s32 $0xFFFFFFFF  }
0xb6: {  	_ =	strace $0x90000048  }
0xb7: {  	_ =	sfence  }
0xb8: {  	s30 =	sld [smem:$0x0];
	_ =	sdelay $0x2  }
0xb9: {  	s31 =	sshll.u32 s1, $0xD;
	s1 =	sshrl.u32 s1, $0x2  }
0xba: {  	s3 =	sand.u32 $0x4000, s31;
	s1 =	sadd.s32 s1, s30  }
0xbb: {  	s0 =	sor.u32 s3, s0;
	s1 =	sshll.u32 s1, $0x11  }
0xbc: {  	s0 =	sor.u32 s1, s0  }
0xbd: {  	s0 =	sadd.s32 $0x8F2B, s0  }
0xbe: {  	[sflag:s0] =	ssyncadd.remote.s32 $0x1  }
0xbf: {  	_ =	sfence.sel $0xFFFF  }
0xc0: {  	[dreg:$0x0] =	wrdreg $0xFFFFFFFF;
	(pc) =	sbr.abs _section_cstart, $3  }
0xc1: {  	[dreg:$0x1] =	wrdreg $0xFFFFFFFF  }
0xc2: {  	_ =	task.clear_ibuf [dreg:s7], $0x2FFFF;
	_ =	strace $0x9FFFFFFF  }
0xc3: {  	(tm) =	ssettm $0x7FFFFFFF  }
tec
execute0_lowered:
.L_overlay_start_1:
0x0: {  	(tag) =	ssettag $0x1  }
0x1: {  	s4 =	rddreg [dreg:$0x0]  }
0x2: {  	s8 =	rddreg [dreg:$0x1]  }
0x3: {  	s1 =	srdreg.scid;
	s0 =	stileid.u32  }
0x4: {  	s2 =	rddreg [dreg:$0x2];
	s3 =	simm.s32 $0x0;
	s14 =	simm.s32 $0x100  }
0x5: {  	s15 =	simm.s32 $0xE400;
	s16 =	simm.s32 $0x180;
	s17 =	simm.s32 $0x12400  }
0x6: {  	s18 =	simm.s32 $0x200;
	s19 =	simm.s32 $0x16400;
	s20 =	simm.s32 $0x1  }
0x7: {  	s21 =	simm.s32 $0x2;
	s22 =	simm.s32 $0x0;
	s6 =	sand.u32 $0x1, s1  }
0x8: {  	s5 =	sshll.u32 s0, $0x1;
	[smem:$0x7FF] =	sst s3;
	s28 =	sshll.u32 s0, $0xA  }
0x9: {  	s29 =	sshll.u32 s0, $0xD;
	s31 =	sshll.u32 s0, $0x6;
	s11 =	smul.u32 $0xC8000, s0  }
0xa: {  	s5 =	sor.u32 s6, s5;
	_ =	strace $0x80000047;
	s12 =	smul.u32 $0x64000, s6  }
0xb: {  	s7 =	ssub.s32 $0x2, s6;
	s30 =	sadd.s32 s29, s2;
	s5 =	smul.u32 $0xC80, s5  }
.Ltmp0:
0xc: {  	s10 =	sshrl.u32 s7, $0x1;
	s8 =	sadd.s32 s11, s8;
	(pc) =	sbr.rel .LBB2_1-.Ltmp0, $4  }
0xd: {  	s11 =	simm.s32 $0x80;
	s7 =	ssub.s32 s7, s10;
	s8 =	sadd.s32 s12, s8  }
0xe: {  	s10 =	simm.s32 $0x3;
	s12 =	simm.s32 $0x6400;
	s9 =	sadd.s32 s5, s4  }
0xf: {  	s4 =	sadd.s32 s28, s4;
	s5 =	sor.u32 $0x1C03, s31;
	s7 =	smax.u32 s7, $0x1  }
0x10: {  	s4 =	sadd.s32 $0x19600, s4;
	s6 =	sadd.s32 $0x600, s9;
	s9 =	sshrl.u32 s30, $0x3  }
.LBB2_4:
0x11: {  	_ =	swait.ge [sflag:s21], $0x4000  }
0x12: {  	[sflag:s21] =	ssyncset.done $0x0  }
0x13: {  	[sflag:s21] =	ssyncadd.s32 $0xFFFFC000  }
0x14: {  	_ =	swait.ge [sflag:s21], $0x4000  }
0x15: {  	[sflag:s21] =	ssyncset.done $0x0  }
0x16: {  	s22 =	sadd.s32 $0x1, s22;
	[sflag:s21] =	ssyncadd.s32 $0xFFFFC000  }
0x17: {  	p0 =	sne.s32 s22, s7;
	_ =	swait.ge [sflag:s21], $0x4000  }
.Ltmp1:
0x18: {  	[sflag:s21] =	ssyncset.done $0x0;
	(pc) =	sbr.rel @!p0 .LBB2_5-.Ltmp1, $4  }
0x19: {  	[sflag:s21] =	ssyncadd.s32 $0xFFFFC000  }
0x1a: {  	_ =	swait.ge [sflag:s21], $0x4000  }
0x1b: {  	[sflag:s21] =	ssyncset.done $0x0  }
0x1c: {  	[sflag:s21] =	ssyncadd.s32 $0xFFFFC000  }
.LBB2_1:
0x1d: {  	[spmem:s9], [sflag:s5] =	dma.local [hbm:s4], $0x400  }
0x1e: {  	_ =	swait.ge [sflag:s10], $0x400  }
0x1f: {  	[sflag:s10] =	ssyncset.done $0x0  }
0x20: {  	[sflag:s10] =	ssyncadd.s32 $0xFFFFFC00  }
0x21: {  	[tilespmem:s3], [sflag:$0x3] =	stream.linear.gather [hbm4b:s6+s3], $0x6400, $0x38;
	[tilespmem:$0x1C400] =	vst v63  }
0x22: {  	_ =	swait.ge [sflag:s10], $0x6400  }
0x23: {  	[sflag:s10] =	ssyncset.done $0x0  }
0x24: {  	[sflag:s10] =	ssyncadd.s32 $0xFFFF9C00  }
0x25: {  	[bflag:$0x0] =	sbarrier.arrive $0xFFFF  }
0x26: {  	[tilespmem:s12], [sflag:$0x1] =	stream.indirect.gather [spmem:s2], $0x80, s3, s11, $0xb8;
	[tilespmem:$0x1C400] =	vst v63  }
0x27: {  	s0 =	simm.s32 $0xA400  }
0x28: {  	[tilespmem:s0], [sflag:$0x1] =	stream.indirect.gather [spmem:s2], $0x80, s11, s11, $0xb8;
	[tilespmem:$0x1C400] =	vst v63  }
0x29: {  	_ = 	snop  }
0x2a: {  	[tilespmem:s15], [sflag:$0x1] =	stream.indirect.gather [spmem:s2], $0x80, s14, s11, $0xb8;
	[tilespmem:$0x1C400] =	vst v63  }
0x2b: {  	_ = 	snop  }
0x2c: {  	[tilespmem:s17], [sflag:$0x1] =	stream.indirect.gather [spmem:s2], $0x80, s16, s11, $0xb8;
	[tilespmem:$0x1C400] =	vst v63  }
0x2d: {  	s23 =	smov.u32 s8;
	s24 =	simm.s32 $0x0  }
0x2e: {  	[tilespmem:s19], [sflag:$0x1] =	stream.indirect.gather [spmem:s2], $0x80, s18, s11, $0xb8;
	[tilespmem:$0x1C400] =	vst v63  }
.LBB2_2:
0x2f: {  	_ =	swait.ge [sflag:s20], $0x4000  }
0x30: {  	p0 =	seq.s32 s24, $0x18600;
	[sflag:s20] =	ssyncset.done $0x0  }
0x31: {  	s25 =	simm.s32 @p0 $0x1;
	[sflag:s20] =	ssyncadd.s32 $0xFFFFC000  }
0x32: {  	[hbm4b:s23+s3] =	stream.linear.scatter [tilespmem:s12], [sflag:$0x2], $0x4000, $0x38;
	[tilespmem:$0x1C400] =	vst v63  }
0x33: {  	_ =	swait.ge @p0 [sflag:s25], $0x4000  }
0x34: {  	s26 =	sadd.s32 @p0 $0x800, s23;
	[sflag:s25] =	ssyncset.done @p0 $0x0  }
0x35: {  	s28 =	simm.s32 @p0 $0x0;
	s29 =	simm.s32 @p0 $0xA400;
	[sflag:s25] =	ssyncadd.s32 @p0 $0xFFFFC000  }
0x36: {  	[hbm4b:s26+s28] =	stream.linear.scatter @p0 [tilespmem:s29], [sflag:$0x2], $0x4000, $0x38;
	[tilespmem:$0x1C400] =	vst v63  }
0x37: {  	s26 =	simm.s32 @!p0 $0x2  }
0x38: {  	_ =	swait.ge @!p0 [sflag:s26], $0x4000  }
0x39: {  	s31 =	simm.s32 @!p0 $0x80;
	s29 =	sshra.s32 @!p0 s24, $0x2;
	[sflag:s26] =	ssyncset.done @!p0 $0x0  }
0x3a: {  	s1 =	simm.s32 @!p0 $0x6400;
	s30 =	sadd.s32 @!p0 $0x280, s29;
	[sflag:s26] =	ssyncadd.s32 @!p0 $0xFFFFC000  }
0x3b: {  	[tilespmem:s1], [sflag:$0x1] =	stream.indirect.gather @!p0 [spmem:s2], $0x80, s30, s31, $0xb8;
	[tilespmem:$0x1C400] =	vst v63  }
0x3c: {  	s1 =	simm.s32 @!p0 $0x1  }
0x3d: {  	_ =	swait.ge @!p0 [sflag:s1], $0x4000  }
0x3e: {  	s0 =	simm.s32 @!p0 $0x0;
	[sflag:s1] =	ssyncset.done @!p0 $0x0  }
0x3f: {  	s13 =	simm.s32 @!p0 $0xA400;
	s30 =	sadd.s32 @!p0 $0x800, s23;
	[sflag:s1] =	ssyncadd.s32 @!p0 $0xFFFFC000  }
0x40: {  	[hbm4b:s30+s0] =	stream.linear.scatter @!p0 [tilespmem:s13], [sflag:$0x2], $0x4000, $0x38;
	[tilespmem:$0x1C400] =	vst v63  }
0x41: {  	_ =	swait.ge @!p0 [sflag:s26], $0x4000  }
0x42: {  	[sflag:s26] =	ssyncset.done @!p0 $0x0  }
0x43: {  	s30 =	sadd.s32 @!p0 $0x300, s29;
	[sflag:s26] =	ssyncadd.s32 @!p0 $0xFFFFC000  }
0x44: {  	[tilespmem:s13], [sflag:$0x1] =	stream.indirect.gather @!p0 [spmem:s2], $0x80, s30, s31, $0xb8;
	[tilespmem:$0x1C400] =	vst v63  }
0x45: {  	_ =	swait.ge [sflag:s20], $0x4000  }
0x46: {  	[sflag:s20] =	ssyncset.done $0x0  }
0x47: {  	s30 =	sadd.s32 $0x1000, s23;
	[sflag:s20] =	ssyncadd.s32 $0xFFFFC000  }
0x48: {  	[hbm4b:s30+s3] =	stream.linear.scatter [tilespmem:s15], [sflag:$0x2], $0x4000, $0x38;
	[tilespmem:$0x1C400] =	vst v63  }
0x49: {  	_ =	swait.ge @p0 [sflag:s25], $0x4000  }
0x4a: {  	[sflag:s25] =	ssyncset.done @p0 $0x0  }
0x4b: {  	s13 =	sadd.s32 @p0 $0x1800, s23;
	[sflag:s25] =	ssyncadd.s32 @p0 $0xFFFFC000;
	s25 =	simm.s32 @p0 $0x12400  }
0x4c: {  	[hbm4b:s13+s28] =	stream.linear.scatter @p0 [tilespmem:s25], [sflag:$0x2], $0x4000, $0x38;
	[tilespmem:$0x1C400] =	vst v63  }
0x4d: {  	_ =	swait.ge @!p0 [sflag:s26], $0x4000  }
0x4e: {  	[sflag:s26] =	ssyncset.done @!p0 $0x0  }
0x4f: {  	s13 =	sadd.s32 @!p0 $0x380, s29;
	s25 =	simm.s32 @!p0 $0xE400;
	[sflag:s26] =	ssyncadd.s32 @!p0 $0xFFFFC000  }
0x50: {  	[tilespmem:s25], [sflag:$0x1] =	stream.indirect.gather @!p0 [spmem:s2], $0x80, s13, s31, $0xb8;
	[tilespmem:$0x1C400] =	vst v63  }
0x51: {  	_ =	swait.ge @!p0 [sflag:s1], $0x4000  }
0x52: {  	[sflag:s1] =	ssyncset.done @!p0 $0x0  }
0x53: {  	s13 =	simm.s32 @!p0 $0x12400;
	[sflag:s1] =	ssyncadd.s32 @!p0 $0xFFFFC000;
	s1 =	sadd.s32 @!p0 $0x1800, s23  }
0x54: {  	[hbm4b:s1+s0] =	stream.linear.scatter @!p0 [tilespmem:s13], [sflag:$0x2], $0x4000, $0x38;
	[tilespmem:$0x1C400] =	vst v63  }
0x55: {  	_ =	swait.ge @!p0 [sflag:s26], $0x4000  }
0x56: {  	[sflag:s26] =	ssyncset.done @!p0 $0x0  }
0x57: {  	s0 =	sadd.s32 @!p0 $0x400, s29;
	[sflag:s26] =	ssyncadd.s32 @!p0 $0xFFFFC000  }
0x58: {  	[tilespmem:s13], [sflag:$0x1] =	stream.indirect.gather @!p0 [spmem:s2], $0x80, s0, s31, $0xb8;
	[tilespmem:$0x1C400] =	vst v63  }
0x59: {  	_ =	swait.ge [sflag:s20], $0x4000  }
0x5a: {  	[sflag:s20] =	ssyncset.done $0x0  }
.Ltmp2:
0x5b: {  	s31 =	sadd.s32 $0x2000, s23;
	[sflag:s20] =	ssyncadd.s32 $0xFFFFC000;
	(pc) =	sbr.rel @p0 .LBB2_4-.Ltmp2, $4  }
0x5c: {  	[hbm4b:s31+s3] =	stream.linear.scatter [tilespmem:s19], [sflag:$0x2], $0x4000, $0x38;
	[tilespmem:$0x1C400] =	vst v63  }
0x5d: {  	_ =	swait.ge [sflag:s21], $0x4000  }
0x5e: {  	[sflag:s21] =	ssyncset.done $0x0  }
0x5f: {  	[sflag:s21] =	ssyncadd.s32 $0xFFFFC000  }
.Ltmp3:
0x60: {  	(pc) =	sbr.rel .LBB2_2-.Ltmp3, $4  }
0x61: {  	_ = 	snop  }
0x62: {  	s0 =	sshra.s32 s24, $0x2  }
0x63: {  	s24 =	sadd.s32 $0xA00, s24;
	s23 =	sadd.s32 $0x2800, s23;
	s0 =	sadd.s32 $0x480, s0  }
0x64: {  	[tilespmem:s19], [sflag:$0x1] =	stream.indirect.gather [spmem:s2], $0x80, s0, s11, $0xb8;
	[tilespmem:$0x1C400] =	vst v63  }
.LBB2_5:
0x65: {  	_ =	sfence.sel $0x180000  }
0x66: {  	[bflag:$0x0] =	sbarrier.arrive $0xFFFF  }
0x67: {  	_ =	strace $0x90000047  }
0x68: {  	s0 =	stileid.u32;
	[bflag:$0x2] =	sbarrier.arrive $0xFFFF  }
0x69: {  	p0 =	sne.s32 s0, $0x0;
	s0 =	rddreg [dreg:$0x3]  }
0x6a: {  	s0 =	sadd.s32 @!p0 $0x100000, s0  }
0x6b: {  	[sflag:s0] =	ssyncadd.tile.s32 @!p0 $0x1;
	_ =	shalt  }
.Lfunc_end2:
_tile_overlayer_lowered:
.L_overlay_start_2:
0x6c: {  	(tag) =	ssettag $0x2  }
0x6d: {  	s0 =	rddreg [dreg:$0x0];
	s2 =	stileid.u32  }
0x6e: {  	s1 =	rddreg [dreg:$0x1];
	p0 =	sne.s32 s2, $0x0  }
0x6f: {  	s3 =	rddreg [dreg:$0x2];
	[bflag:$0x3] =	sbarrier.arrive $0xFFFF;
	s2 =	simm.s32 @!p0 $0x1C03  }
0x70: {  	[timem:s3], [sflag:s2] =	dma.local @!p0 [hbm:s0], s1  }
0x71: {  	s0 =	simm.s32 @!p0 $0x3  }
0x72: {  	_ =	swait.ge @!p0 [sflag:s0], s1  }
0x73: {  	s1 =	ssub.s32 @!p0 $0x0, s1;
	[sflag:s0] =	ssyncset.done @!p0 $0x0  }
0x74: {  	[sflag:s0] =	ssyncadd.s32 @!p0 s1  }
0x75: {  	[bflag:$0x3] =	sbarrier.arrive $0xFFFF  }
0x76: {  	_ =	shalt  }

</sc_bundles>
